<compile_context>
chip_gen: v7x
topology: tpu7x:2x2x1
jax: 0.10.2.dev20260603
libtpu: 0.0.44.dev20260713+nightly
codegen_flags: <defaults>
</compile_context>

<pallas_src>
import functools

import jax
import jax.numpy as jnp
from jax import lax
from jax.experimental import pallas as pl
from jax.experimental.pallas import tpu as pltpu
from jax.experimental.pallas import tpu_sc as plsc

B = 16384
T = 20
N = B * T
D_OUT = 256
TBL_ROWS = 1024
NC = 2
NS = 16
NW = NC * NS
TOK_PER_W = N // NW
OUT_PER_W = 2 * TOK_PER_W
CHUNK = 128
TOK_PER_CHUNK = CHUNK // 2
NCHUNK = OUT_PER_W // CHUNK
NBUF = 4
NGROUP = NCHUNK // NBUF


def _prep_body(cs, cp, co, es, ep, eo, w, bias, slot, piece, orient,
               table_out, idx_out):
    dn = (((1,), (1,)), ((), ()))
    f32 = jnp.float32
    wv = w[...]
    w_s, w_p, w_o = wv[:, 0:42], wv[:, 42:84], wv[:, 84:128]
    csp = lax.dot_general(cs[...], w_s, dn, preferred_element_type=f32)
    cpp = lax.dot_general(cp[...], w_p, dn, preferred_element_type=f32)
    cop = lax.dot_general(co[...], w_o, dn, preferred_element_type=f32)
    esp = lax.dot_general(es[...], w_s, dn, preferred_element_type=f32)
    epp = lax.dot_general(ep[...], w_p, dn, preferred_element_type=f32)
    eop = lax.dot_general(eo[...], w_o, dn, preferred_element_type=f32)

    dn2 = (((1,), (0,)), ((), ()))

    def combine(nrows, sp, pp, op, pmod, omod):
        r_s = lax.broadcasted_iota(jnp.int32, (nrows, sp.shape[0]), 0)
        c_s = lax.broadcasted_iota(jnp.int32, (nrows, sp.shape[0]), 1)
        s_oh = (r_s // (pmod * omod) == c_s).astype(f32)
        r_p = lax.broadcasted_iota(jnp.int32, (nrows, pp.shape[0]), 0)
        c_p = lax.broadcasted_iota(jnp.int32, (nrows, pp.shape[0]), 1)
        p_oh = ((r_p // omod) % pmod == c_p).astype(f32)
        r_o = lax.broadcasted_iota(jnp.int32, (nrows, op.shape[0]), 0)
        c_o = lax.broadcasted_iota(jnp.int32, (nrows, op.shape[0]), 1)
        o_oh = (r_o % omod == c_o).astype(f32)
        return (lax.dot_general(s_oh, sp, dn2, preferred_element_type=f32)
                + lax.dot_general(p_oh, pp, dn2, preferred_element_type=f32)
                + lax.dot_general(o_oh, op, dn2, preferred_element_type=f32))

    b_row = bias[...]
    corner = combine(192, csp, cpp, cop, 8, 3) + b_row
    edge = combine(288, esp, epp, eop, 12, 2) + b_row
    zeros = jnp.zeros((32, 128), f32)
    table_out[0:192, :] = corner[:, :128]
    table_out[192:480, :] = edge[:, :128]
    table_out[480:512, :] = zeros
    table_out[512:704, :] = corner[:, 128:]
    table_out[704:992, :] = edge[:, 128:]
    table_out[992:1024, :] = zeros

    r_it = lax.broadcasted_iota(jnp.int32, (N // 64, 64), 0)
    t = r_it // 256
    s_id = slot[...]
    p_id = piece[...]
    o_id = orient[...]
    is_c = t < 8
    corner_idx = s_id * 24 + p_id * 3 + o_id
    edge_idx = 192 + s_id * 24 + p_id * 2 + o_id
    base = jnp.where(is_c, corner_idx, edge_idx).astype(f32)

    po = lax.broadcasted_iota(jnp.int32, (64, 128), 0)
    pc = lax.broadcasted_iota(jnp.int32, (64, 128), 1)
    perm = (po == 8 * (pc // 16) + (pc % 8)).astype(f32)
    c1 = lax.broadcasted_iota(jnp.int32, (1, 128), 1)
    halfoff = ((c1 // 8) % 2) * (TBL_ROWS // 2)
    expanded = lax.dot_general(base, perm, dn2, preferred_element_type=f32,
                               precision=lax.Precision.HIGHEST)
    idx_out[...] = (expanded + 0.5).astype(jnp.int32) + halfoff


def _gather_body(tbl_hbm, idx_hbm, out_hbm,
                 idx_v, rows_v, tbl_sh, g0, g1, g2, g3, o0, o1, o2, o3):
    gsem = [g0, g1, g2, g3]
    osem = [o0, o1, o2, o3]
    wid = lax.axis_index("s") * NC + lax.axis_index("c")
    base = wid * OUT_PER_W

    sid = lax.axis_index("s")

    @pl.when(sid < TBL_ROWS // CHUNK)
    def _stage():
        sl = pl.ds(sid * CHUNK, CHUNK)
        pltpu.sync_copy(tbl_hbm.at[sl], rows_v.at[0])
        pltpu.sync_copy(rows_v.at[0], tbl_sh.at[sl])

    pltpu.sync_copy(idx_hbm.at[wid], idx_v)
    plsc.subcore_barrier()

    def g_start(j, b):
        pltpu.async_copy(tbl_sh.at[idx_v.at[j]], rows_v.at[b], gsem[b])

    def g_wait(j, b):
        pltpu.make_async_copy(
            tbl_sh.at[idx_v.at[j]], rows_v.at[b], gsem[b]).wait()

    def o_start(j, b):
        dst = pl.ds(base + j * CHUNK, CHUNK)
        pltpu.async_copy(rows_v.at[b], out_hbm.at[dst], osem[b])

    def o_wait(j, b):
        dst = pl.ds(base + j * CHUNK, CHUNK)
        pltpu.make_async_copy(rows_v.at[b], out_hbm.at[dst], osem[b]).wait()

    for b in range(NBUF):
        g_start(b, b)

    def group(g, carry):
        for b in range(NBUF):
            j = g * NBUF + b
            g_wait(j, b)
            o_start(j, b)

            @pl.when(g < NGROUP - 1)
            def _refill():
                o_wait(j, b)
                g_start(j + NBUF, b)

        return carry

    lax.fori_loop(0, NGROUP, group, 0)
    for b in range(NBUF):
        o_wait((NGROUP - 1) * NBUF + b, b)


def kernel(slot_ids, piece_ids, orientations, corner_slot_emb,
           corner_piece_emb, corner_orient_emb, edge_slot_emb,
           edge_piece_emb, edge_orient_emb, proj_W, proj_b):
    f32 = jnp.float32

    cs, cp, co = corner_slot_emb, corner_piece_emb, corner_orient_emb
    es, ep, eo = edge_slot_emb, edge_piece_emb, edge_orient_emb

    slot_r = slot_ids.transpose(1, 0).reshape(N // 64, 64)
    piece_r = piece_ids.transpose(1, 0).reshape(N // 64, 64)
    orient_r = orientations.transpose(1, 0).reshape(N // 64, 64)

    table, idx = pl.pallas_call(
        _prep_body,
        out_shape=[
            jax.ShapeDtypeStruct((TBL_ROWS, 128), f32),
            jax.ShapeDtypeStruct((N // 64, 128), jnp.int32),
        ],
    )(cs, cp, co, es, ep, eo, proj_W, proj_b.reshape(1, D_OUT),
      slot_r, piece_r, orient_r)

    idx_3d = idx.reshape(NW, NCHUNK, CHUNK)

    mesh = plsc.VectorSubcoreMesh(core_axis_name="c", subcore_axis_name="s")
    gather = functools.partial(
        pl.kernel,
        mesh=mesh,
        out_type=jax.ShapeDtypeStruct((2 * N, 128), f32),
        scratch_types=[
            pltpu.VMEM((NCHUNK, CHUNK), jnp.int32),
            pltpu.VMEM((NBUF, CHUNK, 128), f32),
            pltpu.VMEM_SHARED((TBL_ROWS, 128), f32),
            pltpu.SemaphoreType.DMA,
            pltpu.SemaphoreType.DMA,
            pltpu.SemaphoreType.DMA,
            pltpu.SemaphoreType.DMA,
            pltpu.SemaphoreType.DMA,
            pltpu.SemaphoreType.DMA,
            pltpu.SemaphoreType.DMA,
            pltpu.SemaphoreType.DMA,
        ],
    )(_gather_body)

    out = gather(table, idx_3d)

    return (out.reshape(T, B // 8, 2, 8, 128)
            .transpose(1, 3, 0, 2, 4)
            .reshape(B, T, D_OUT))

# --- scband reference (transcript-rebuilt; emitter-appended) ---
"""Pipeline reference for scband-embedding-layer-24807731101699 (READ-ONLY COPY).

The authoritative reference and input builder live on the scoring server;
editing this copy changes nothing except your own understanding.
"""

import jax, jax.numpy as jnp
import numpy as np

B = 16384

def setup_inputs(seed: int = 0) -> dict:
    key = jax.random.key(seed)
    ks = jax.random.split(key, 11)
    slot_ids = jax.random.randint(ks[0], (B, 20), 0, 8)
    piece_ids = jax.random.randint(ks[1], (B, 20), 0, 8)
    orientations = jax.random.randint(ks[2], (B, 20), 0, 2)
    corner_slot_emb = jax.random.normal(ks[3], (8, 42), dtype=jnp.float32) * 0.05
    corner_piece_emb = jax.random.normal(ks[4], (8, 42), dtype=jnp.float32) * 0.05
    corner_orient_emb = jax.random.normal(ks[5], (3, 44), dtype=jnp.float32) * 0.05
    edge_slot_emb = jax.random.normal(ks[6], (12, 42), dtype=jnp.float32) * 0.05
    edge_piece_emb = jax.random.normal(ks[7], (12, 42), dtype=jnp.float32) * 0.05
    edge_orient_emb = jax.random.normal(ks[8], (2, 44), dtype=jnp.float32) * 0.05
    proj_W = jax.random.normal(ks[9], (256, 128), dtype=jnp.float32) * 0.05
    proj_b = jax.random.normal(ks[10], (256,), dtype=jnp.float32) * 0.05
    return {
        'slot_ids': slot_ids,
        'piece_ids': piece_ids,
        'orientations': orientations,
        'corner_slot_emb': corner_slot_emb,
        'corner_piece_emb': corner_piece_emb,
        'corner_orient_emb': corner_orient_emb,
        'edge_slot_emb': edge_slot_emb,
        'edge_piece_emb': edge_piece_emb,
        'edge_orient_emb': edge_orient_emb,
        'proj_W': proj_W,
        'proj_b': proj_b,
    }

def reference(slot_ids, piece_ids, orientations,
              corner_slot_emb, corner_piece_emb, corner_orient_emb,
              edge_slot_emb, edge_piece_emb, edge_orient_emb,
              proj_W, proj_b):
    # deterministic slicing: first 8 tokens are corners, next 12 are edges
    c_slot = slot_ids[:, :8]
    c_piece = piece_ids[:, :8]
    c_or = orientations[:, :8]
    e_slot = slot_ids[:, 8:20]
    e_piece = piece_ids[:, 8:20]
    e_or = orientations[:, 8:20]
    corner_embedded = jnp.concatenate([
        jnp.take(corner_slot_emb, c_slot, axis=0),
        jnp.take(corner_piece_emb, c_piece, axis=0),
        jnp.take(corner_orient_emb, c_or, axis=0),
    ], axis=-1)
    edge_embedded = jnp.concatenate([
        jnp.take(edge_slot_emb, e_slot, axis=0),
        jnp.take(edge_piece_emb, e_piece, axis=0),
        jnp.take(edge_orient_emb, e_or, axis=0),
    ], axis=-1)
    embedded = jnp.concatenate([corner_embedded, edge_embedded], axis=1)  # (B, 20, 128)
    out = embedded @ proj_W.T + proj_b  # (B, 20, 256)
    return out

if __name__ == "__main__":
    import jax
    _d = setup_inputs()
    print(jax.jit(kernel)(*tuple(_d.values())))

</pallas_src>

<mosaic_0001>
#map = affine_map<(d0, d1) -> (0, 0)>
#map1 = affine_map<(d0, d1) -> (0, 0, 0)>
module attributes {stable_mosaic.version = 14 : i64} {
  func.func @_gather_body(%arg0: i32, %arg1: i32, %arg2: memref<1024x128xf32, #tpu.memory_space<hbm>>, %arg3: memref<32x160x128xi32, #tpu.memory_space<hbm>>, %arg4: memref<655360x128xf32, #tpu.memory_space<hbm>>, %arg5: memref<160x128xi32, #tpu.memory_space<vmem>>, %arg6: memref<4x128x128xf32, #tpu.memory_space<vmem>>, %arg7: memref<1024x128xf32, #tpu.memory_space<vmem_shared>>, %arg8: memref<!tpu.dma_semaphore, #tpu.memory_space<semaphore_mem>>, %arg9: memref<!tpu.dma_semaphore, #tpu.memory_space<semaphore_mem>>, %arg10: memref<!tpu.dma_semaphore, #tpu.memory_space<semaphore_mem>>, %arg11: memref<!tpu.dma_semaphore, #tpu.memory_space<semaphore_mem>>, %arg12: memref<!tpu.dma_semaphore, #tpu.memory_space<semaphore_mem>>, %arg13: memref<!tpu.dma_semaphore, #tpu.memory_space<semaphore_mem>>, %arg14: memref<!tpu.dma_semaphore, #tpu.memory_space<semaphore_mem>>, %arg15: memref<!tpu.dma_semaphore, #tpu.memory_space<semaphore_mem>>) attributes {dimension_semantics = [#tpu.dimension_semantics<core_parallel>, #tpu.dimension_semantics<subcore_parallel>], iteration_bounds = array<i64: 2, 16>, scalar_prefetch = 0 : i64, scratch_operands = 11 : i64, tpu.core_type = #tpu.core_type<sc_vector_subcore>, window_params = [{transform_indices = #map}, {transform_indices = #map1}, {transform_indices = #map}]} {
    %mul3A = arith.constant 2 : i32
    %mul3A_0 = arith.muli %arg1, %mul3A : i32
    %add3A = arith.addi %mul3A_0, %arg0 : i32
    %mul3A_1 = arith.constant 20480 : i32
    %mul3A_2 = arith.muli %add3A, %mul3A_1 : i32
    %lt3A = arith.constant 8 : i32
    %lt3A_3 = arith.cmpi slt, %arg1, %lt3A : i32
    %convert_element_type3A = arith.extui %lt3A_3 : i1 to i32
    %cond3A = arith.constant 0 : i32
    %cond3A_4 = arith.cmpi ne, %convert_element_type3A, %cond3A : i32
    scf.if %cond3A_4 {
      %mul3A_116 = arith.constant 128 : i32
      %mul3A_117 = arith.muli %arg1, %mul3A_116 : i32
      %run_scoped3A = arith.constant 0 : i32
      "tpu.region"() ({
        %run_scoped3A_119 = tpu.sem_alloc : memref<!tpu.dma_semaphore, #tpu.memory_space<semaphore_mem>>
        %dma_start3A_120 = arith.constant 0 : i32
        %dma_start3A_121 = arith.constant 0 : i32
        %dma_start3A_122 = tpu.memref_slice %arg6[%run_scoped3A, %dma_start3A_120, %dma_start3A_121] : memref<4x128x128xf32, #tpu.memory_space<vmem>> -> memref<1x128x128xf32, #tpu.memory_space<vmem>>
        %dma_start3A_123 = tpu.memref_squeeze %dma_start3A_122 : memref<1x128x128xf32, #tpu.memory_space<vmem>> -> memref<128x128xf32, #tpu.memory_space<vmem>>
        %dma_start3A_124 = arith.constant 0 : i32
        %dma_start3A_125 = tpu.memref_slice %arg2[%mul3A_117, %dma_start3A_124] : memref<1024x128xf32, #tpu.memory_space<hbm>> -> memref<128x128xf32, #tpu.memory_space<hbm>>
        %dma_start3A_126 = arith.constant 0 : i32
        %dma_start3A_127 = arith.constant 0 : i32
        %dma_start3A_128 = tpu.memref_slice %arg6[%run_scoped3A, %dma_start3A_126, %dma_start3A_127] : memref<4x128x128xf32, #tpu.memory_space<vmem>> -> memref<1x128x128xf32, #tpu.memory_space<vmem>>
        %dma_start3A_129 = tpu.memref_squeeze %dma_start3A_128 : memref<1x128x128xf32, #tpu.memory_space<vmem>> -> memref<128x128xf32, #tpu.memory_space<vmem>>
        %dma_start3A_130 = arith.constant 0 : i32
        %dma_start3A_131 = tpu.memref_slice %arg2[%mul3A_117, %dma_start3A_130] : memref<1024x128xf32, #tpu.memory_space<hbm>> -> memref<128x128xf32, #tpu.memory_space<hbm>>
        tpu.enqueue_dma source(%dma_start3A_131 : memref<128x128xf32, #tpu.memory_space<hbm>>) target(%dma_start3A_129 : memref<128x128xf32, #tpu.memory_space<vmem>>) target_semaphore(%run_scoped3A_119 : memref<!tpu.dma_semaphore, #tpu.memory_space<semaphore_mem>>)
        %dma_wait3A_132 = arith.constant 0 : i32
        %dma_wait3A_133 = arith.constant 0 : i32
        %dma_wait3A_134 = tpu.memref_slice %arg6[%run_scoped3A, %dma_wait3A_132, %dma_wait3A_133] : memref<4x128x128xf32, #tpu.memory_space<vmem>> -> memref<1x128x128xf32, #tpu.memory_space<vmem>>
        %dma_wait3A_135 = tpu.memref_squeeze %dma_wait3A_134 : memref<1x128x128xf32, #tpu.memory_space<vmem>> -> memref<128x128xf32, #tpu.memory_space<vmem>>
        %dma_wait3A_136 = arith.constant 0 : i32
        %dma_wait3A_137 = tpu.memref_slice %arg2[%mul3A_117, %dma_wait3A_136] : memref<1024x128xf32, #tpu.memory_space<hbm>> -> memref<128x128xf32, #tpu.memory_space<hbm>>
        %dma_wait3A_138 = arith.constant 0 : i32
        %dma_wait3A_139 = arith.constant 0 : i32
        %dma_wait3A_140 = tpu.memref_slice %arg6[%run_scoped3A, %dma_wait3A_138, %dma_wait3A_139] : memref<4x128x128xf32, #tpu.memory_space<vmem>> -> memref<1x128x128xf32, #tpu.memory_space<vmem>>
        %dma_wait3A_141 = tpu.memref_squeeze %dma_wait3A_140 : memref<1x128x128xf32, #tpu.memory_space<vmem>> -> memref<128x128xf32, #tpu.memory_space<vmem>>
        %dma_wait3A_142 = arith.constant 0 : i32
        %dma_wait3A_143 = tpu.memref_slice %arg2[%mul3A_117, %dma_wait3A_142] : memref<1024x128xf32, #tpu.memory_space<hbm>> -> memref<128x128xf32, #tpu.memory_space<hbm>>
        tpu.wait_dma2 semaphore(%run_scoped3A_119 : memref<!tpu.dma_semaphore, #tpu.memory_space<semaphore_mem>>) src(%dma_wait3A_143 : memref<128x128xf32, #tpu.memory_space<hbm>>) dst(%dma_wait3A_141 : memref<128x128xf32, #tpu.memory_space<vmem>>)
        tpu.yield
      }) : () -> ()
      %run_scoped3A_118 = arith.constant 0 : i32
      "tpu.region"() ({
        %run_scoped3A_119 = tpu.sem_alloc : memref<!tpu.dma_semaphore, #tpu.memory_space<semaphore_mem>>
        %dma_start3A_120 = arith.constant 0 : i32
        %dma_start3A_121 = arith.constant 0 : i32
        %dma_start3A_122 = tpu.memref_slice %arg6[%run_scoped3A_118, %dma_start3A_120, %dma_start3A_121] : memref<4x128x128xf32, #tpu.memory_space<vmem>> -> memref<1x128x128xf32, #tpu.memory_space<vmem>>
        %dma_start3A_123 = tpu.memref_squeeze %dma_start3A_122 : memref<1x128x128xf32, #tpu.memory_space<vmem>> -> memref<128x128xf32, #tpu.memory_space<vmem>>
        %dma_start3A_124 = arith.constant 0 : i32
        %dma_start3A_125 = tpu.memref_slice %arg7[%mul3A_117, %dma_start3A_124] : memref<1024x128xf32, #tpu.memory_space<vmem_shared>> -> memref<128x128xf32, #tpu.memory_space<vmem_shared>>
        %dma_start3A_126 = arith.constant 0 : i32
        %dma_start3A_127 = tpu.memref_slice %arg7[%mul3A_117, %dma_start3A_126] : memref<1024x128xf32, #tpu.memory_space<vmem_shared>> -> memref<128x128xf32, #tpu.memory_space<vmem_shared>>
        %dma_start3A_128 = arith.constant 0 : i32
        %dma_start3A_129 = arith.constant 0 : i32
        %dma_start3A_130 = tpu.memref_slice %arg6[%run_scoped3A_118, %dma_start3A_128, %dma_start3A_129] : memref<4x128x128xf32, #tpu.memory_space<vmem>> -> memref<1x128x128xf32, #tpu.memory_space<vmem>>
        %dma_start3A_131 = tpu.memref_squeeze %dma_start3A_130 : memref<1x128x128xf32, #tpu.memory_space<vmem>> -> memref<128x128xf32, #tpu.memory_space<vmem>>
        tpu.enqueue_dma source(%dma_start3A_131 : memref<128x128xf32, #tpu.memory_space<vmem>>) target(%dma_start3A_127 : memref<128x128xf32, #tpu.memory_space<vmem_shared>>) target_semaphore(%run_scoped3A_119 : memref<!tpu.dma_semaphore, #tpu.memory_space<semaphore_mem>>)
        %dma_wait3A_132 = arith.constant 0 : i32
        %dma_wait3A_133 = arith.constant 0 : i32
        %dma_wait3A_134 = tpu.memref_slice %arg6[%run_scoped3A_118, %dma_wait3A_132, %dma_wait3A_133] : memref<4x128x128xf32, #tpu.memory_space<vmem>> -> memref<1x128x128xf32, #tpu.memory_space<vmem>>
        %dma_wait3A_135 = tpu.memref_squeeze %dma_wait3A_134 : memref<1x128x128xf32, #tpu.memory_space<vmem>> -> memref<128x128xf32, #tpu.memory_space<vmem>>
        %dma_wait3A_136 = arith.constant 0 : i32
        %dma_wait3A_137 = tpu.memref_slice %arg7[%mul3A_117, %dma_wait3A_136] : memref<1024x128xf32, #tpu.memory_space<vmem_shared>> -> memref<128x128xf32, #tpu.memory_space<vmem_shared>>
        %dma_wait3A_138 = arith.constant 0 : i32
        %dma_wait3A_139 = tpu.memref_slice %arg7[%mul3A_117, %dma_wait3A_138] : memref<1024x128xf32, #tpu.memory_space<vmem_shared>> -> memref<128x128xf32, #tpu.memory_space<vmem_shared>>
        %dma_wait3A_140 = arith.constant 0 : i32
        %dma_wait3A_141 = arith.constant 0 : i32
        %dma_wait3A_142 = tpu.memref_slice %arg6[%run_scoped3A_118, %dma_wait3A_140, %dma_wait3A_141] : memref<4x128x128xf32, #tpu.memory_space<vmem>> -> memref<1x128x128xf32, #tpu.memory_space<vmem>>
        %dma_wait3A_143 = tpu.memref_squeeze %dma_wait3A_142 : memref<1x128x128xf32, #tpu.memory_space<vmem>> -> memref<128x128xf32, #tpu.memory_space<vmem>>
        tpu.wait_dma2 semaphore(%run_scoped3A_119 : memref<!tpu.dma_semaphore, #tpu.memory_space<semaphore_mem>>) src(%dma_wait3A_143 : memref<128x128xf32, #tpu.memory_space<vmem>>) dst(%dma_wait3A_139 : memref<128x128xf32, #tpu.memory_space<vmem_shared>>)
        tpu.yield
      }) : () -> ()
    } else {
    }
    "tpu.region"() ({
      %run_scoped3A = tpu.sem_alloc : memref<!tpu.dma_semaphore, #tpu.memory_space<semaphore_mem>>
      %dma_start3A_116 = arith.constant 0 : i32
      %dma_start3A_117 = arith.constant 0 : i32
      %dma_start3A_118 = tpu.memref_slice %arg3[%add3A, %dma_start3A_116, %dma_start3A_117] : memref<32x160x128xi32, #tpu.memory_space<hbm>> -> memref<1x160x128xi32, #tpu.memory_space<hbm>>
      %dma_start3A_119 = tpu.memref_squeeze %dma_start3A_118 : memref<1x160x128xi32, #tpu.memory_space<hbm>> -> memref<160x128xi32, #tpu.memory_space<hbm>>
      %dma_start3A_120 = arith.constant 0 : i32
      %dma_start3A_121 = arith.constant 0 : i32
      %dma_start3A_122 = tpu.memref_slice %arg3[%add3A, %dma_start3A_120, %dma_start3A_121] : memref<32x160x128xi32, #tpu.memory_space<hbm>> -> memref<1x160x128xi32, #tpu.memory_space<hbm>>
      %dma_start3A_123 = tpu.memref_squeeze %dma_start3A_122 : memref<1x160x128xi32, #tpu.memory_space<hbm>> -> memref<160x128xi32, #tpu.memory_space<hbm>>
      tpu.enqueue_dma source(%dma_start3A_123 : memref<160x128xi32, #tpu.memory_space<hbm>>) target(%arg5 : memref<160x128xi32, #tpu.memory_space<vmem>>) target_semaphore(%run_scoped3A : memref<!tpu.dma_semaphore, #tpu.memory_space<semaphore_mem>>)
      %dma_wait3A_124 = arith.constant 0 : i32
      %dma_wait3A_125 = arith.constant 0 : i32
      %dma_wait3A_126 = tpu.memref_slice %arg3[%add3A, %dma_wait3A_124, %dma_wait3A_125] : memref<32x160x128xi32, #tpu.memory_space<hbm>> -> memref<1x160x128xi32, #tpu.memory_space<hbm>>
      %dma_wait3A_127 = tpu.memref_squeeze %dma_wait3A_126 : memref<1x160x128xi32, #tpu.memory_space<hbm>> -> memref<160x128xi32, #tpu.memory_space<hbm>>
      %dma_wait3A_128 = arith.constant 0 : i32
      %dma_wait3A_129 = arith.constant 0 : i32
      %dma_wait3A_130 = tpu.memref_slice %arg3[%add3A, %dma_wait3A_128, %dma_wait3A_129] : memref<32x160x128xi32, #tpu.memory_space<hbm>> -> memref<1x160x128xi32, #tpu.memory_space<hbm>>
      %dma_wait3A_131 = tpu.memref_squeeze %dma_wait3A_130 : memref<1x160x128xi32, #tpu.memory_space<hbm>> -> memref<160x128xi32, #tpu.memory_space<hbm>>
      tpu.wait_dma2 semaphore(%run_scoped3A : memref<!tpu.dma_semaphore, #tpu.memory_space<semaphore_mem>>) src(%dma_wait3A_131 : memref<160x128xi32, #tpu.memory_space<hbm>>) dst(%arg5 : memref<160x128xi32, #tpu.memory_space<vmem>>)
      tpu.yield
    }) : () -> ()
    %barrier3A = arith.constant 0 : index
    tpu.barrier barrier_id(%barrier3A)
    %dma_start3A = arith.constant 0 : i32
    %dma_start3A_5 = arith.constant 0 : i32
    %dma_start3A_6 = arith.constant 0 : i32
    %dma_start3A_7 = arith.constant 0 : i32
    %dma_start3A_8 = tpu.memref_slice %arg6[%dma_start3A_5, %dma_start3A_6, %dma_start3A_7] : memref<4x128x128xf32, #tpu.memory_space<vmem>> -> memref<1x128x128xf32, #tpu.memory_space<vmem>>
    %dma_start3A_9 = tpu.memref_squeeze %dma_start3A_8 : memref<1x128x128xf32, #tpu.memory_space<vmem>> -> memref<128x128xf32, #tpu.memory_space<vmem>>
    %dma_start3A_10 = arith.constant 0 : i32
    %dma_start3A_11 = tpu.memref_slice %arg5[%dma_start3A, %dma_start3A_10] : memref<160x128xi32, #tpu.memory_space<vmem>> -> memref<1x128xi32, #tpu.memory_space<vmem>>
    %dma_start3A_12 = tpu.memref_squeeze %dma_start3A_11 : memref<1x128xi32, #tpu.memory_space<vmem>> -> memref<128xi32, #tpu.memory_space<vmem>>
    %dma_start3A_13 = arith.constant 0 : i32
    %dma_start3A_14 = arith.constant 0 : i32
    %dma_start3A_15 = tpu.memref_slice %arg7[%dma_start3A_13, %dma_start3A_14] : memref<1024x128xf32, #tpu.memory_space<vmem_shared>> -> memref<1024x128xf32, #tpu.memory_space<vmem_shared>>
    tpu.enqueue_indirect_dma source(%dma_start3A_15 : memref<1024x128xf32, #tpu.memory_space<vmem_shared>>) target(%dma_start3A_9 : memref<128x128xf32, #tpu.memory_space<vmem>>) offsets(%dma_start3A_12 : memref<128xi32, #tpu.memory_space<vmem>>) semaphore(%arg8 : memref<!tpu.dma_semaphore, #tpu.memory_space<semaphore_mem>>)
    %dma_start3A_16 = arith.constant 1 : i32
    %dma_start3A_17 = arith.constant 1 : i32
    %dma_start3A_18 = arith.constant 0 : i32
    %dma_start3A_19 = arith.constant 0 : i32
    %dma_start3A_20 = tpu.memref_slice %arg6[%dma_start3A_17, %dma_start3A_18, %dma_start3A_19] : memref<4x128x128xf32, #tpu.memory_space<vmem>> -> memref<1x128x128xf32, #tpu.memory_space<vmem>>
    %dma_start3A_21 = tpu.memref_squeeze %dma_start3A_20 : memref<1x128x128xf32, #tpu.memory_space<vmem>> -> memref<128x128xf32, #tpu.memory_space<vmem>>
    %dma_start3A_22 = arith.constant 0 : i32
    %dma_start3A_23 = tpu.memref_slice %arg5[%dma_start3A_16, %dma_start3A_22] : memref<160x128xi32, #tpu.memory_space<vmem>> -> memref<1x128xi32, #tpu.memory_space<vmem>>
    %dma_start3A_24 = tpu.memref_squeeze %dma_start3A_23 : memref<1x128xi32, #tpu.memory_space<vmem>> -> memref<128xi32, #tpu.memory_space<vmem>>
    %dma_start3A_25 = arith.constant 0 : i32
    %dma_start3A_26 = arith.constant 0 : i32
    %dma_start3A_27 = tpu.memref_slice %arg7[%dma_start3A_25, %dma_start3A_26] : memref<1024x128xf32, #tpu.memory_space<vmem_shared>> -> memref<1024x128xf32, #tpu.memory_space<vmem_shared>>
    tpu.enqueue_indirect_dma source(%dma_start3A_27 : memref<1024x128xf32, #tpu.memory_space<vmem_shared>>) target(%dma_start3A_21 : memref<128x128xf32, #tpu.memory_space<vmem>>) offsets(%dma_start3A_24 : memref<128xi32, #tpu.memory_space<vmem>>) semaphore(%arg9 : memref<!tpu.dma_semaphore, #tpu.memory_space<semaphore_mem>>)
    %dma_start3A_28 = arith.constant 2 : i32
    %dma_start3A_29 = arith.constant 2 : i32
    %dma_start3A_30 = arith.constant 0 : i32
    %dma_start3A_31 = arith.constant 0 : i32
    %dma_start3A_32 = tpu.memref_slice %arg6[%dma_start3A_29, %dma_start3A_30, %dma_start3A_31] : memref<4x128x128xf32, #tpu.memory_space<vmem>> -> memref<1x128x128xf32, #tpu.memory_space<vmem>>
    %dma_start3A_33 = tpu.memref_squeeze %dma_start3A_32 : memref<1x128x128xf32, #tpu.memory_space<vmem>> -> memref<128x128xf32, #tpu.memory_space<vmem>>
    %dma_start3A_34 = arith.constant 0 : i32
    %dma_start3A_35 = tpu.memref_slice %arg5[%dma_start3A_28, %dma_start3A_34] : memref<160x128xi32, #tpu.memory_space<vmem>> -> memref<1x128xi32, #tpu.memory_space<vmem>>
    %dma_start3A_36 = tpu.memref_squeeze %dma_start3A_35 : memref<1x128xi32, #tpu.memory_space<vmem>> -> memref<128xi32, #tpu.memory_space<vmem>>
    %dma_start3A_37 = arith.constant 0 : i32
    %dma_start3A_38 = arith.constant 0 : i32
    %dma_start3A_39 = tpu.memref_slice %arg7[%dma_start3A_37, %dma_start3A_38] : memref<1024x128xf32, #tpu.memory_space<vmem_shared>> -> memref<1024x128xf32, #tpu.memory_space<vmem_shared>>
    tpu.enqueue_indirect_dma source(%dma_start3A_39 : memref<1024x128xf32, #tpu.memory_space<vmem_shared>>) target(%dma_start3A_33 : memref<128x128xf32, #tpu.memory_space<vmem>>) offsets(%dma_start3A_36 : memref<128xi32, #tpu.memory_space<vmem>>) semaphore(%arg10 : memref<!tpu.dma_semaphore, #tpu.memory_space<semaphore_mem>>)
    %dma_start3A_40 = arith.constant 3 : i32
    %dma_start3A_41 = arith.constant 3 : i32
    %dma_start3A_42 = arith.constant 0 : i32
    %dma_start3A_43 = arith.constant 0 : i32
    %dma_start3A_44 = tpu.memref_slice %arg6[%dma_start3A_41, %dma_start3A_42, %dma_start3A_43] : memref<4x128x128xf32, #tpu.memory_space<vmem>> -> memref<1x128x128xf32, #tpu.memory_space<vmem>>
    %dma_start3A_45 = tpu.memref_squeeze %dma_start3A_44 : memref<1x128x128xf32, #tpu.memory_space<vmem>> -> memref<128x128xf32, #tpu.memory_space<vmem>>
    %dma_start3A_46 = arith.constant 0 : i32
    %dma_start3A_47 = tpu.memref_slice %arg5[%dma_start3A_40, %dma_start3A_46] : memref<160x128xi32, #tpu.memory_space<vmem>> -> memref<1x128xi32, #tpu.memory_space<vmem>>
    %dma_start3A_48 = tpu.memref_squeeze %dma_start3A_47 : memref<1x128xi32, #tpu.memory_space<vmem>> -> memref<128xi32, #tpu.memory_space<vmem>>
    %dma_start3A_49 = arith.constant 0 : i32
    %dma_start3A_50 = arith.constant 0 : i32
    %dma_start3A_51 = tpu.memref_slice %arg7[%dma_start3A_49, %dma_start3A_50] : memref<1024x128xf32, #tpu.memory_space<vmem_shared>> -> memref<1024x128xf32, #tpu.memory_space<vmem_shared>>
    tpu.enqueue_indirect_dma source(%dma_start3A_51 : memref<1024x128xf32, #tpu.memory_space<vmem_shared>>) target(%dma_start3A_45 : memref<128x128xf32, #tpu.memory_space<vmem>>) offsets(%dma_start3A_48 : memref<128xi32, #tpu.memory_space<vmem>>) semaphore(%arg11 : memref<!tpu.dma_semaphore, #tpu.memory_space<semaphore_mem>>)
    %scan3A = arith.constant 0 : i32
    %scan3A_52 = arith.constant 0 : i32
    %scan3A_53 = arith.constant 40 : i32
    %scan3A_54 = arith.addi %scan3A_52, %scan3A_53 : i32
    %scan3A_55 = arith.constant 1 : i32
    scf.for %scan3A_116 = %scan3A_52 to %scan3A_54 step %scan3A_55  : i32 {
      %mul3A_117 = arith.constant 4 : i32
      %mul3A_118 = arith.muli %scan3A_116, %mul3A_117 : i32
      %add3A_119 = arith.constant 0 : i32
      %add3A_120 = arith.addi %mul3A_118, %add3A_119 : i32
      %dma_wait3A_121 = arith.constant 0 : i32
      %dma_wait3A_122 = arith.constant 0 : i32
      %dma_wait3A_123 = arith.constant 0 : i32
      %dma_wait3A_124 = tpu.memref_slice %arg6[%dma_wait3A_121, %dma_wait3A_122, %dma_wait3A_123] : memref<4x128x128xf32, #tpu.memory_space<vmem>> -> memref<1x128x128xf32, #tpu.memory_space<vmem>>
      %dma_wait3A_125 = tpu.memref_squeeze %dma_wait3A_124 : memref<1x128x128xf32, #tpu.memory_space<vmem>> -> memref<128x128xf32, #tpu.memory_space<vmem>>
      %dma_wait3A_126 = arith.constant 0 : i32
      %dma_wait3A_127 = tpu.memref_slice %arg5[%add3A_120, %dma_wait3A_126] : memref<160x128xi32, #tpu.memory_space<vmem>> -> memref<1x128xi32, #tpu.memory_space<vmem>>
      %dma_wait3A_128 = tpu.memref_squeeze %dma_wait3A_127 : memref<1x128xi32, #tpu.memory_space<vmem>> -> memref<128xi32, #tpu.memory_space<vmem>>
      %dma_wait3A_129 = arith.constant 0 : i32
      %dma_wait3A_130 = arith.constant 0 : i32
      %dma_wait3A_131 = tpu.memref_slice %arg7[%dma_wait3A_129, %dma_wait3A_130] : memref<1024x128xf32, #tpu.memory_space<vmem_shared>> -> memref<1024x128xf32, #tpu.memory_space<vmem_shared>>
      tpu.wait_indirect_dma semaphore(%arg8 : memref<!tpu.dma_semaphore, #tpu.memory_space<semaphore_mem>>) src(%dma_wait3A_131 : memref<1024x128xf32, #tpu.memory_space<vmem_shared>>) dst(%dma_wait3A_125 : memref<128x128xf32, #tpu.memory_space<vmem>>)
      %mul3A_132 = arith.constant 128 : i32
      %mul3A_133 = arith.muli %add3A_120, %mul3A_132 : i32
      %add3A_134 = arith.addi %mul3A_2, %mul3A_133 : i32
      %dma_start3A_135 = arith.constant 0 : i32
      %dma_start3A_136 = arith.constant 0 : i32
      %dma_start3A_137 = arith.constant 0 : i32
      %dma_start3A_138 = tpu.memref_slice %arg6[%dma_start3A_135, %dma_start3A_136, %dma_start3A_137] : memref<4x128x128xf32, #tpu.memory_space<vmem>> -> memref<1x128x128xf32, #tpu.memory_space<vmem>>
      %dma_start3A_139 = tpu.memref_squeeze %dma_start3A_138 : memref<1x128x128xf32, #tpu.memory_space<vmem>> -> memref<128x128xf32, #tpu.memory_space<vmem>>
      %dma_start3A_140 = arith.constant 0 : i32
      %dma_start3A_141 = tpu.memref_slice %arg4[%add3A_134, %dma_start3A_140] : memref<655360x128xf32, #tpu.memory_space<hbm>> -> memref<128x128xf32, #tpu.memory_space<hbm>>
      %dma_start3A_142 = arith.constant 0 : i32
      %dma_start3A_143 = tpu.memref_slice %arg4[%add3A_134, %dma_start3A_142] : memref<655360x128xf32, #tpu.memory_space<hbm>> -> memref<128x128xf32, #tpu.memory_space<hbm>>
      %dma_start3A_144 = arith.constant 0 : i32
      %dma_start3A_145 = arith.constant 0 : i32
      %dma_start3A_146 = tpu.memref_slice %arg6[%dma_start3A_135, %dma_start3A_144, %dma_start3A_145] : memref<4x128x128xf32, #tpu.memory_space<vmem>> -> memref<1x128x128xf32, #tpu.memory_space<vmem>>
      %dma_start3A_147 = tpu.memref_squeeze %dma_start3A_146 : memref<1x128x128xf32, #tpu.memory_space<vmem>> -> memref<128x128xf32, #tpu.memory_space<vmem>>
      tpu.enqueue_dma source(%dma_start3A_147 : memref<128x128xf32, #tpu.memory_space<vmem>>) target(%dma_start3A_143 : memref<128x128xf32, #tpu.memory_space<hbm>>) target_semaphore(%arg12 : memref<!tpu.dma_semaphore, #tpu.memory_space<semaphore_mem>>)
      %lt3A_148 = arith.constant 39 : i32
      %lt3A_149 = arith.cmpi slt, %scan3A_116, %lt3A_148 : i32
      %convert_element_type3A_150 = arith.extui %lt3A_149 : i1 to i32
      %cond3A_151 = arith.constant 0 : i32
      %cond3A_152 = arith.cmpi ne, %convert_element_type3A_150, %cond3A_151 : i32
      scf.if %cond3A_152 {
        %mul3A_261 = arith.constant 128 : i32
        %mul3A_262 = arith.muli %add3A_120, %mul3A_261 : i32
        %add3A_263 = arith.addi %mul3A_2, %mul3A_262 : i32
        %dma_wait3A_264 = arith.constant 0 : i32
        %dma_wait3A_265 = arith.constant 0 : i32
        %dma_wait3A_266 = arith.constant 0 : i32
        %dma_wait3A_267 = tpu.memref_slice %arg6[%dma_wait3A_264, %dma_wait3A_265, %dma_wait3A_266] : memref<4x128x128xf32, #tpu.memory_space<vmem>> -> memref<1x128x128xf32, #tpu.memory_space<vmem>>
        %dma_wait3A_268 = tpu.memref_squeeze %dma_wait3A_267 : memref<1x128x128xf32, #tpu.memory_space<vmem>> -> memref<128x128xf32, #tpu.memory_space<vmem>>
        %dma_wait3A_269 = arith.constant 0 : i32
        %dma_wait3A_270 = tpu.memref_slice %arg4[%add3A_263, %dma_wait3A_269] : memref<655360x128xf32, #tpu.memory_space<hbm>> -> memref<128x128xf32, #tpu.memory_space<hbm>>
        %dma_wait3A_271 = arith.constant 0 : i32
        %dma_wait3A_272 = tpu.memref_slice %arg4[%add3A_263, %dma_wait3A_271] : memref<655360x128xf32, #tpu.memory_space<hbm>> -> memref<128x128xf32, #tpu.memory_space<hbm>>
        %dma_wait3A_273 = arith.constant 0 : i32
        %dma_wait3A_274 = arith.constant 0 : i32
        %dma_wait3A_275 = tpu.memref_slice %arg6[%dma_wait3A_264, %dma_wait3A_273, %dma_wait3A_274] : memref<4x128x128xf32, #tpu.memory_space<vmem>> -> memref<1x128x128xf32, #tpu.memory_space<vmem>>
        %dma_wait3A_276 = tpu.memref_squeeze %dma_wait3A_275 : memref<1x128x128xf32, #tpu.memory_space<vmem>> -> memref<128x128xf32, #tpu.memory_space<vmem>>
        tpu.wait_dma2 semaphore(%arg12 : memref<!tpu.dma_semaphore, #tpu.memory_space<semaphore_mem>>) src(%dma_wait3A_276 : memref<128x128xf32, #tpu.memory_space<vmem>>) dst(%dma_wait3A_272 : memref<128x128xf32, #tpu.memory_space<hbm>>)
        %add3A_277 = arith.constant 4 : i32
        %add3A_278 = arith.addi %add3A_120, %add3A_277 : i32
        %dma_start3A_279 = arith.constant 0 : i32
        %dma_start3A_280 = arith.constant 0 : i32
        %dma_start3A_281 = arith.constant 0 : i32
        %dma_start3A_282 = tpu.memref_slice %arg6[%dma_start3A_279, %dma_start3A_280, %dma_start3A_281] : memref<4x128x128xf32, #tpu.memory_space<vmem>> -> memref<1x128x128xf32, #tpu.memory_space<vmem>>
        %dma_start3A_283 = tpu.memref_squeeze %dma_start3A_282 : memref<1x128x128xf32, #tpu.memory_space<vmem>> -> memref<128x128xf32, #tpu.memory_space<vmem>>
        %dma_start3A_284 = arith.constant 0 : i32
        %dma_start3A_285 = tpu.memref_slice %arg5[%add3A_278, %dma_start3A_284] : memref<160x128xi32, #tpu.memory_space<vmem>> -> memref<1x128xi32, #tpu.memory_space<vmem>>
        %dma_start3A_286 = tpu.memref_squeeze %dma_start3A_285 : memref<1x128xi32, #tpu.memory_space<vmem>> -> memref<128xi32, #tpu.memory_space<vmem>>
        %dma_start3A_287 = arith.constant 0 : i32
        %dma_start3A_288 = arith.constant 0 : i32
        %dma_start3A_289 = tpu.memref_slice %arg7[%dma_start3A_287, %dma_start3A_288] : memref<1024x128xf32, #tpu.memory_space<vmem_shared>> -> memref<1024x128xf32, #tpu.memory_space<vmem_shared>>
        tpu.enqueue_indirect_dma source(%dma_start3A_289 : memref<1024x128xf32, #tpu.memory_space<vmem_shared>>) target(%dma_start3A_283 : memref<128x128xf32, #tpu.memory_space<vmem>>) offsets(%dma_start3A_286 : memref<128xi32, #tpu.memory_space<vmem>>) semaphore(%arg8 : memref<!tpu.dma_semaphore, #tpu.memory_space<semaphore_mem>>)
      } else {
      }
      %mul3A_153 = arith.constant 4 : i32
      %mul3A_154 = arith.muli %scan3A_116, %mul3A_153 : i32
      %add3A_155 = arith.constant 1 : i32
      %add3A_156 = arith.addi %mul3A_154, %add3A_155 : i32
      %dma_wait3A_157 = arith.constant 1 : i32
      %dma_wait3A_158 = arith.constant 0 : i32
      %dma_wait3A_159 = arith.constant 0 : i32
      %dma_wait3A_160 = tpu.memref_slice %arg6[%dma_wait3A_157, %dma_wait3A_158, %dma_wait3A_159] : memref<4x128x128xf32, #tpu.memory_space<vmem>> -> memref<1x128x128xf32, #tpu.memory_space<vmem>>
      %dma_wait3A_161 = tpu.memref_squeeze %dma_wait3A_160 : memref<1x128x128xf32, #tpu.memory_space<vmem>> -> memref<128x128xf32, #tpu.memory_space<vmem>>
      %dma_wait3A_162 = arith.constant 0 : i32
      %dma_wait3A_163 = tpu.memref_slice %arg5[%add3A_156, %dma_wait3A_162] : memref<160x128xi32, #tpu.memory_space<vmem>> -> memref<1x128xi32, #tpu.memory_space<vmem>>
      %dma_wait3A_164 = tpu.memref_squeeze %dma_wait3A_163 : memref<1x128xi32, #tpu.memory_space<vmem>> -> memref<128xi32, #tpu.memory_space<vmem>>
      %dma_wait3A_165 = arith.constant 0 : i32
      %dma_wait3A_166 = arith.constant 0 : i32
      %dma_wait3A_167 = tpu.memref_slice %arg7[%dma_wait3A_165, %dma_wait3A_166] : memref<1024x128xf32, #tpu.memory_space<vmem_shared>> -> memref<1024x128xf32, #tpu.memory_space<vmem_shared>>
      tpu.wait_indirect_dma semaphore(%arg9 : memref<!tpu.dma_semaphore, #tpu.memory_space<semaphore_mem>>) src(%dma_wait3A_167 : memref<1024x128xf32, #tpu.memory_space<vmem_shared>>) dst(%dma_wait3A_161 : memref<128x128xf32, #tpu.memory_space<vmem>>)
      %mul3A_168 = arith.constant 128 : i32
      %mul3A_169 = arith.muli %add3A_156, %mul3A_168 : i32
      %add3A_170 = arith.addi %mul3A_2, %mul3A_169 : i32
      %dma_start3A_171 = arith.constant 1 : i32
      %dma_start3A_172 = arith.constant 0 : i32
      %dma_start3A_173 = arith.constant 0 : i32
      %dma_start3A_174 = tpu.memref_slice %arg6[%dma_start3A_171, %dma_start3A_172, %dma_start3A_173] : memref<4x128x128xf32, #tpu.memory_space<vmem>> -> memref<1x128x128xf32, #tpu.memory_space<vmem>>
      %dma_start3A_175 = tpu.memref_squeeze %dma_start3A_174 : memref<1x128x128xf32, #tpu.memory_space<vmem>> -> memref<128x128xf32, #tpu.memory_space<vmem>>
      %dma_start3A_176 = arith.constant 0 : i32
      %dma_start3A_177 = tpu.memref_slice %arg4[%add3A_170, %dma_start3A_176] : memref<655360x128xf32, #tpu.memory_space<hbm>> -> memref<128x128xf32, #tpu.memory_space<hbm>>
      %dma_start3A_178 = arith.constant 0 : i32
      %dma_start3A_179 = tpu.memref_slice %arg4[%add3A_170, %dma_start3A_178] : memref<655360x128xf32, #tpu.memory_space<hbm>> -> memref<128x128xf32, #tpu.memory_space<hbm>>
      %dma_start3A_180 = arith.constant 0 : i32
      %dma_start3A_181 = arith.constant 0 : i32
      %dma_start3A_182 = tpu.memref_slice %arg6[%dma_start3A_171, %dma_start3A_180, %dma_start3A_181] : memref<4x128x128xf32, #tpu.memory_space<vmem>> -> memref<1x128x128xf32, #tpu.memory_space<vmem>>
      %dma_start3A_183 = tpu.memref_squeeze %dma_start3A_182 : memref<1x128x128xf32, #tpu.memory_space<vmem>> -> memref<128x128xf32, #tpu.memory_space<vmem>>
      tpu.enqueue_dma source(%dma_start3A_183 : memref<128x128xf32, #tpu.memory_space<vmem>>) target(%dma_start3A_179 : memref<128x128xf32, #tpu.memory_space<hbm>>) target_semaphore(%arg13 : memref<!tpu.dma_semaphore, #tpu.memory_space<semaphore_mem>>)
      %lt3A_184 = arith.constant 39 : i32
      %lt3A_185 = arith.cmpi slt, %scan3A_116, %lt3A_184 : i32
      %convert_element_type3A_186 = arith.extui %lt3A_185 : i1 to i32
      %cond3A_187 = arith.constant 0 : i32
      %cond3A_188 = arith.cmpi ne, %convert_element_type3A_186, %cond3A_187 : i32
      scf.if %cond3A_188 {
        %mul3A_261 = arith.constant 128 : i32
        %mul3A_262 = arith.muli %add3A_156, %mul3A_261 : i32
        %add3A_263 = arith.addi %mul3A_2, %mul3A_262 : i32
        %dma_wait3A_264 = arith.constant 1 : i32
        %dma_wait3A_265 = arith.constant 0 : i32
        %dma_wait3A_266 = arith.constant 0 : i32
        %dma_wait3A_267 = tpu.memref_slice %arg6[%dma_wait3A_264, %dma_wait3A_265, %dma_wait3A_266] : memref<4x128x128xf32, #tpu.memory_space<vmem>> -> memref<1x128x128xf32, #tpu.memory_space<vmem>>
        %dma_wait3A_268 = tpu.memref_squeeze %dma_wait3A_267 : memref<1x128x128xf32, #tpu.memory_space<vmem>> -> memref<128x128xf32, #tpu.memory_space<vmem>>
        %dma_wait3A_269 = arith.constant 0 : i32
        %dma_wait3A_270 = tpu.memref_slice %arg4[%add3A_263, %dma_wait3A_269] : memref<655360x128xf32, #tpu.memory_space<hbm>> -> memref<128x128xf32, #tpu.memory_space<hbm>>
        %dma_wait3A_271 = arith.constant 0 : i32
        %dma_wait3A_272 = tpu.memref_slice %arg4[%add3A_263, %dma_wait3A_271] : memref<655360x128xf32, #tpu.memory_space<hbm>> -> memref<128x128xf32, #tpu.memory_space<hbm>>
        %dma_wait3A_273 = arith.constant 0 : i32
        %dma_wait3A_274 = arith.constant 0 : i32
        %dma_wait3A_275 = tpu.memref_slice %arg6[%dma_wait3A_264, %dma_wait3A_273, %dma_wait3A_274] : memref<4x128x128xf32, #tpu.memory_space<vmem>> -> memref<1x128x128xf32, #tpu.memory_space<vmem>>
        %dma_wait3A_276 = tpu.memref_squeeze %dma_wait3A_275 : memref<1x128x128xf32, #tpu.memory_space<vmem>> -> memref<128x128xf32, #tpu.memory_space<vmem>>
        tpu.wait_dma2 semaphore(%arg13 : memref<!tpu.dma_semaphore, #tpu.memory_space<semaphore_mem>>) src(%dma_wait3A_276 : memref<128x128xf32, #tpu.memory_space<vmem>>) dst(%dma_wait3A_272 : memref<128x128xf32, #tpu.memory_space<hbm>>)
        %add3A_277 = arith.constant 4 : i32
        %add3A_278 = arith.addi %add3A_156, %add3A_277 : i32
        %dma_start3A_279 = arith.constant 1 : i32
        %dma_start3A_280 = arith.constant 0 : i32
        %dma_start3A_281 = arith.constant 0 : i32
        %dma_start3A_282 = tpu.memref_slice %arg6[%dma_start3A_279, %dma_start3A_280, %dma_start3A_281] : memref<4x128x128xf32, #tpu.memory_space<vmem>> -> memref<1x128x128xf32, #tpu.memory_space<vmem>>
        %dma_start3A_283 = tpu.memref_squeeze %dma_start3A_282 : memref<1x128x128xf32, #tpu.memory_space<vmem>> -> memref<128x128xf32, #tpu.memory_space<vmem>>
        %dma_start3A_284 = arith.constant 0 : i32
        %dma_start3A_285 = tpu.memref_slice %arg5[%add3A_278, %dma_start3A_284] : memref<160x128xi32, #tpu.memory_space<vmem>> -> memref<1x128xi32, #tpu.memory_space<vmem>>
        %dma_start3A_286 = tpu.memref_squeeze %dma_start3A_285 : memref<1x128xi32, #tpu.memory_space<vmem>> -> memref<128xi32, #tpu.memory_space<vmem>>
        %dma_start3A_287 = arith.constant 0 : i32
        %dma_start3A_288 = arith.constant 0 : i32
        %dma_start3A_289 = tpu.memref_slice %arg7[%dma_start3A_287, %dma_start3A_288] : memref<1024x128xf32, #tpu.memory_space<vmem_shared>> -> memref<1024x128xf32, #tpu.memory_space<vmem_shared>>
        tpu.enqueue_indirect_dma source(%dma_start3A_289 : memref<1024x128xf32, #tpu.memory_space<vmem_shared>>) target(%dma_start3A_283 : memref<128x128xf32, #tpu.memory_space<vmem>>) offsets(%dma_start3A_286 : memref<128xi32, #tpu.memory_space<vmem>>) semaphore(%arg9 : memref<!tpu.dma_semaphore, #tpu.memory_space<semaphore_mem>>)
      } else {
      }
      %mul3A_189 = arith.constant 4 : i32
      %mul3A_190 = arith.muli %scan3A_116, %mul3A_189 : i32
      %add3A_191 = arith.constant 2 : i32
      %add3A_192 = arith.addi %mul3A_190, %add3A_191 : i32
      %dma_wait3A_193 = arith.constant 2 : i32
      %dma_wait3A_194 = arith.constant 0 : i32
      %dma_wait3A_195 = arith.constant 0 : i32
      %dma_wait3A_196 = tpu.memref_slice %arg6[%dma_wait3A_193, %dma_wait3A_194, %dma_wait3A_195] : memref<4x128x128xf32, #tpu.memory_space<vmem>> -> memref<1x128x128xf32, #tpu.memory_space<vmem>>
      %dma_wait3A_197 = tpu.memref_squeeze %dma_wait3A_196 : memref<1x128x128xf32, #tpu.memory_space<vmem>> -> memref<128x128xf32, #tpu.memory_space<vmem>>
      %dma_wait3A_198 = arith.constant 0 : i32
      %dma_wait3A_199 = tpu.memref_slice %arg5[%add3A_192, %dma_wait3A_198] : memref<160x128xi32, #tpu.memory_space<vmem>> -> memref<1x128xi32, #tpu.memory_space<vmem>>
      %dma_wait3A_200 = tpu.memref_squeeze %dma_wait3A_199 : memref<1x128xi32, #tpu.memory_space<vmem>> -> memref<128xi32, #tpu.memory_space<vmem>>
      %dma_wait3A_201 = arith.constant 0 : i32
      %dma_wait3A_202 = arith.constant 0 : i32
      %dma_wait3A_203 = tpu.memref_slice %arg7[%dma_wait3A_201, %dma_wait3A_202] : memref<1024x128xf32, #tpu.memory_space<vmem_shared>> -> memref<1024x128xf32, #tpu.memory_space<vmem_shared>>
      tpu.wait_indirect_dma semaphore(%arg10 : memref<!tpu.dma_semaphore, #tpu.memory_space<semaphore_mem>>) src(%dma_wait3A_203 : memref<1024x128xf32, #tpu.memory_space<vmem_shared>>) dst(%dma_wait3A_197 : memref<128x128xf32, #tpu.memory_space<vmem>>)
      %mul3A_204 = arith.constant 128 : i32
      %mul3A_205 = arith.muli %add3A_192, %mul3A_204 : i32
      %add3A_206 = arith.addi %mul3A_2, %mul3A_205 : i32
      %dma_start3A_207 = arith.constant 2 : i32
      %dma_start3A_208 = arith.constant 0 : i32
      %dma_start3A_209 = arith.constant 0 : i32
      %dma_start3A_210 = tpu.memref_slice %arg6[%dma_start3A_207, %dma_start3A_208, %dma_start3A_209] : memref<4x128x128xf32, #tpu.memory_space<vmem>> -> memref<1x128x128xf32, #tpu.memory_space<vmem>>
      %dma_start3A_211 = tpu.memref_squeeze %dma_start3A_210 : memref<1x128x128xf32, #tpu.memory_space<vmem>> -> memref<128x128xf32, #tpu.memory_space<vmem>>
      %dma_start3A_212 = arith.constant 0 : i32
      %dma_start3A_213 = tpu.memref_slice %arg4[%add3A_206, %dma_start3A_212] : memref<655360x128xf32, #tpu.memory_space<hbm>> -> memref<128x128xf32, #tpu.memory_space<hbm>>
      %dma_start3A_214 = arith.constant 0 : i32
      %dma_start3A_215 = tpu.memref_slice %arg4[%add3A_206, %dma_start3A_214] : memref<655360x128xf32, #tpu.memory_space<hbm>> -> memref<128x128xf32, #tpu.memory_space<hbm>>
      %dma_start3A_216 = arith.constant 0 : i32
      %dma_start3A_217 = arith.constant 0 : i32
      %dma_start3A_218 = tpu.memref_slice %arg6[%dma_start3A_207, %dma_start3A_216, %dma_start3A_217] : memref<4x128x128xf32, #tpu.memory_space<vmem>> -> memref<1x128x128xf32, #tpu.memory_space<vmem>>
      %dma_start3A_219 = tpu.memref_squeeze %dma_start3A_218 : memref<1x128x128xf32, #tpu.memory_space<vmem>> -> memref<128x128xf32, #tpu.memory_space<vmem>>
      tpu.enqueue_dma source(%dma_start3A_219 : memref<128x128xf32, #tpu.memory_space<vmem>>) target(%dma_start3A_215 : memref<128x128xf32, #tpu.memory_space<hbm>>) target_semaphore(%arg14 : memref<!tpu.dma_semaphore, #tpu.memory_space<semaphore_mem>>)
      %lt3A_220 = arith.constant 39 : i32
      %lt3A_221 = arith.cmpi slt, %scan3A_116, %lt3A_220 : i32
      %convert_element_type3A_222 = arith.extui %lt3A_221 : i1 to i32
      %cond3A_223 = arith.constant 0 : i32
      %cond3A_224 = arith.cmpi ne, %convert_element_type3A_222, %cond3A_223 : i32
      scf.if %cond3A_224 {
        %mul3A_261 = arith.constant 128 : i32
        %mul3A_262 = arith.muli %add3A_192, %mul3A_261 : i32
        %add3A_263 = arith.addi %mul3A_2, %mul3A_262 : i32
        %dma_wait3A_264 = arith.constant 2 : i32
        %dma_wait3A_265 = arith.constant 0 : i32
        %dma_wait3A_266 = arith.constant 0 : i32
        %dma_wait3A_267 = tpu.memref_slice %arg6[%dma_wait3A_264, %dma_wait3A_265, %dma_wait3A_266] : memref<4x128x128xf32, #tpu.memory_space<vmem>> -> memref<1x128x128xf32, #tpu.memory_space<vmem>>
        %dma_wait3A_268 = tpu.memref_squeeze %dma_wait3A_267 : memref<1x128x128xf32, #tpu.memory_space<vmem>> -> memref<128x128xf32, #tpu.memory_space<vmem>>
        %dma_wait3A_269 = arith.constant 0 : i32
        %dma_wait3A_270 = tpu.memref_slice %arg4[%add3A_263, %dma_wait3A_269] : memref<655360x128xf32, #tpu.memory_space<hbm>> -> memref<128x128xf32, #tpu.memory_space<hbm>>
        %dma_wait3A_271 = arith.constant 0 : i32
        %dma_wait3A_272 = tpu.memref_slice %arg4[%add3A_263, %dma_wait3A_271] : memref<655360x128xf32, #tpu.memory_space<hbm>> -> memref<128x128xf32, #tpu.memory_space<hbm>>
        %dma_wait3A_273 = arith.constant 0 : i32
        %dma_wait3A_274 = arith.constant 0 : i32
        %dma_wait3A_275 = tpu.memref_slice %arg6[%dma_wait3A_264, %dma_wait3A_273, %dma_wait3A_274] : memref<4x128x128xf32, #tpu.memory_space<vmem>> -> memref<1x128x128xf32, #tpu.memory_space<vmem>>
        %dma_wait3A_276 = tpu.memref_squeeze %dma_wait3A_275 : memref<1x128x128xf32, #tpu.memory_space<vmem>> -> memref<128x128xf32, #tpu.memory_space<vmem>>
        tpu.wait_dma2 semaphore(%arg14 : memref<!tpu.dma_semaphore, #tpu.memory_space<semaphore_mem>>) src(%dma_wait3A_276 : memref<128x128xf32, #tpu.memory_space<vmem>>) dst(%dma_wait3A_272 : memref<128x128xf32, #tpu.memory_space<hbm>>)
        %add3A_277 = arith.constant 4 : i32
        %add3A_278 = arith.addi %add3A_192, %add3A_277 : i32
        %dma_start3A_279 = arith.constant 2 : i32
        %dma_start3A_280 = arith.constant 0 : i32
        %dma_start3A_281 = arith.constant 0 : i32
        %dma_start3A_282 = tpu.memref_slice %arg6[%dma_start3A_279, %dma_start3A_280, %dma_start3A_281] : memref<4x128x128xf32, #tpu.memory_space<vmem>> -> memref<1x128x128xf32, #tpu.memory_space<vmem>>
        %dma_start3A_283 = tpu.memref_squeeze %dma_start3A_282 : memref<1x128x128xf32, #tpu.memory_space<vmem>> -> memref<128x128xf32, #tpu.memory_space<vmem>>
        %dma_start3A_284 = arith.constant 0 : i32
        %dma_start3A_285 = tpu.memref_slice %arg5[%add3A_278, %dma_start3A_284] : memref<160x128xi32, #tpu.memory_space<vmem>> -> memref<1x128xi32, #tpu.memory_space<vmem>>
        %dma_start3A_286 = tpu.memref_squeeze %dma_start3A_285 : memref<1x128xi32, #tpu.memory_space<vmem>> -> memref<128xi32, #tpu.memory_space<vmem>>
        %dma_start3A_287 = arith.constant 0 : i32
        %dma_start3A_288 = arith.constant 0 : i32
        %dma_start3A_289 = tpu.memref_slice %arg7[%dma_start3A_287, %dma_start3A_288] : memref<1024x128xf32, #tpu.memory_space<vmem_shared>> -> memref<1024x128xf32, #tpu.memory_space<vmem_shared>>
        tpu.enqueue_indirect_dma source(%dma_start3A_289 : memref<1024x128xf32, #tpu.memory_space<vmem_shared>>) target(%dma_start3A_283 : memref<128x128xf32, #tpu.memory_space<vmem>>) offsets(%dma_start3A_286 : memref<128xi32, #tpu.memory_space<vmem>>) semaphore(%arg10 : memref<!tpu.dma_semaphore, #tpu.memory_space<semaphore_mem>>)
      } else {
      }
      %mul3A_225 = arith.constant 4 : i32
      %mul3A_226 = arith.muli %scan3A_116, %mul3A_225 : i32
      %add3A_227 = arith.constant 3 : i32
      %add3A_228 = arith.addi %mul3A_226, %add3A_227 : i32
      %dma_wait3A_229 = arith.constant 3 : i32
      %dma_wait3A_230 = arith.constant 0 : i32
      %dma_wait3A_231 = arith.constant 0 : i32
      %dma_wait3A_232 = tpu.memref_slice %arg6[%dma_wait3A_229, %dma_wait3A_230, %dma_wait3A_231] : memref<4x128x128xf32, #tpu.memory_space<vmem>> -> memref<1x128x128xf32, #tpu.memory_space<vmem>>
      %dma_wait3A_233 = tpu.memref_squeeze %dma_wait3A_232 : memref<1x128x128xf32, #tpu.memory_space<vmem>> -> memref<128x128xf32, #tpu.memory_space<vmem>>
      %dma_wait3A_234 = arith.constant 0 : i32
      %dma_wait3A_235 = tpu.memref_slice %arg5[%add3A_228, %dma_wait3A_234] : memref<160x128xi32, #tpu.memory_space<vmem>> -> memref<1x128xi32, #tpu.memory_space<vmem>>
      %dma_wait3A_236 = tpu.memref_squeeze %dma_wait3A_235 : memref<1x128xi32, #tpu.memory_space<vmem>> -> memref<128xi32, #tpu.memory_space<vmem>>
      %dma_wait3A_237 = arith.constant 0 : i32
      %dma_wait3A_238 = arith.constant 0 : i32
      %dma_wait3A_239 = tpu.memref_slice %arg7[%dma_wait3A_237, %dma_wait3A_238] : memref<1024x128xf32, #tpu.memory_space<vmem_shared>> -> memref<1024x128xf32, #tpu.memory_space<vmem_shared>>
      tpu.wait_indirect_dma semaphore(%arg11 : memref<!tpu.dma_semaphore, #tpu.memory_space<semaphore_mem>>) src(%dma_wait3A_239 : memref<1024x128xf32, #tpu.memory_space<vmem_shared>>) dst(%dma_wait3A_233 : memref<128x128xf32, #tpu.memory_space<vmem>>)
      %mul3A_240 = arith.constant 128 : i32
      %mul3A_241 = arith.muli %add3A_228, %mul3A_240 : i32
      %add3A_242 = arith.addi %mul3A_2, %mul3A_241 : i32
      %dma_start3A_243 = arith.constant 3 : i32
      %dma_start3A_244 = arith.constant 0 : i32
      %dma_start3A_245 = arith.constant 0 : i32
      %dma_start3A_246 = tpu.memref_slice %arg6[%dma_start3A_243, %dma_start3A_244, %dma_start3A_245] : memref<4x128x128xf32, #tpu.memory_space<vmem>> -> memref<1x128x128xf32, #tpu.memory_space<vmem>>
      %dma_start3A_247 = tpu.memref_squeeze %dma_start3A_246 : memref<1x128x128xf32, #tpu.memory_space<vmem>> -> memref<128x128xf32, #tpu.memory_space<vmem>>
      %dma_start3A_248 = arith.constant 0 : i32
      %dma_start3A_249 = tpu.memref_slice %arg4[%add3A_242, %dma_start3A_248] : memref<655360x128xf32, #tpu.memory_space<hbm>> -> memref<128x128xf32, #tpu.memory_space<hbm>>
      %dma_start3A_250 = arith.constant 0 : i32
      %dma_start3A_251 = tpu.memref_slice %arg4[%add3A_242, %dma_start3A_250] : memref<655360x128xf32, #tpu.memory_space<hbm>> -> memref<128x128xf32, #tpu.memory_space<hbm>>
      %dma_start3A_252 = arith.constant 0 : i32
      %dma_start3A_253 = arith.constant 0 : i32
      %dma_start3A_254 = tpu.memref_slice %arg6[%dma_start3A_243, %dma_start3A_252, %dma_start3A_253] : memref<4x128x128xf32, #tpu.memory_space<vmem>> -> memref<1x128x128xf32, #tpu.memory_space<vmem>>
      %dma_start3A_255 = tpu.memref_squeeze %dma_start3A_254 : memref<1x128x128xf32, #tpu.memory_space<vmem>> -> memref<128x128xf32, #tpu.memory_space<vmem>>
      tpu.enqueue_dma source(%dma_start3A_255 : memref<128x128xf32, #tpu.memory_space<vmem>>) target(%dma_start3A_251 : memref<128x128xf32, #tpu.memory_space<hbm>>) target_semaphore(%arg15 : memref<!tpu.dma_semaphore, #tpu.memory_space<semaphore_mem>>)
      %lt3A_256 = arith.constant 39 : i32
      %lt3A_257 = arith.cmpi slt, %scan3A_116, %lt3A_256 : i32
      %convert_element_type3A_258 = arith.extui %lt3A_257 : i1 to i32
      %cond3A_259 = arith.constant 0 : i32
      %cond3A_260 = arith.cmpi ne, %convert_element_type3A_258, %cond3A_259 : i32
      scf.if %cond3A_260 {
        %mul3A_261 = arith.constant 128 : i32
        %mul3A_262 = arith.muli %add3A_228, %mul3A_261 : i32
        %add3A_263 = arith.addi %mul3A_2, %mul3A_262 : i32
        %dma_wait3A_264 = arith.constant 3 : i32
        %dma_wait3A_265 = arith.constant 0 : i32
        %dma_wait3A_266 = arith.constant 0 : i32
        %dma_wait3A_267 = tpu.memref_slice %arg6[%dma_wait3A_264, %dma_wait3A_265, %dma_wait3A_266] : memref<4x128x128xf32, #tpu.memory_space<vmem>> -> memref<1x128x128xf32, #tpu.memory_space<vmem>>
        %dma_wait3A_268 = tpu.memref_squeeze %dma_wait3A_267 : memref<1x128x128xf32, #tpu.memory_space<vmem>> -> memref<128x128xf32, #tpu.memory_space<vmem>>
        %dma_wait3A_269 = arith.constant 0 : i32
        %dma_wait3A_270 = tpu.memref_slice %arg4[%add3A_263, %dma_wait3A_269] : memref<655360x128xf32, #tpu.memory_space<hbm>> -> memref<128x128xf32, #tpu.memory_space<hbm>>
        %dma_wait3A_271 = arith.constant 0 : i32
        %dma_wait3A_272 = tpu.memref_slice %arg4[%add3A_263, %dma_wait3A_271] : memref<655360x128xf32, #tpu.memory_space<hbm>> -> memref<128x128xf32, #tpu.memory_space<hbm>>
        %dma_wait3A_273 = arith.constant 0 : i32
        %dma_wait3A_274 = arith.constant 0 : i32
        %dma_wait3A_275 = tpu.memref_slice %arg6[%dma_wait3A_264, %dma_wait3A_273, %dma_wait3A_274] : memref<4x128x128xf32, #tpu.memory_space<vmem>> -> memref<1x128x128xf32, #tpu.memory_space<vmem>>
        %dma_wait3A_276 = tpu.memref_squeeze %dma_wait3A_275 : memref<1x128x128xf32, #tpu.memory_space<vmem>> -> memref<128x128xf32, #tpu.memory_space<vmem>>
        tpu.wait_dma2 semaphore(%arg15 : memref<!tpu.dma_semaphore, #tpu.memory_space<semaphore_mem>>) src(%dma_wait3A_276 : memref<128x128xf32, #tpu.memory_space<vmem>>) dst(%dma_wait3A_272 : memref<128x128xf32, #tpu.memory_space<hbm>>)
        %add3A_277 = arith.constant 4 : i32
        %add3A_278 = arith.addi %add3A_228, %add3A_277 : i32
        %dma_start3A_279 = arith.constant 3 : i32
        %dma_start3A_280 = arith.constant 0 : i32
        %dma_start3A_281 = arith.constant 0 : i32
        %dma_start3A_282 = tpu.memref_slice %arg6[%dma_start3A_279, %dma_start3A_280, %dma_start3A_281] : memref<4x128x128xf32, #tpu.memory_space<vmem>> -> memref<1x128x128xf32, #tpu.memory_space<vmem>>
        %dma_start3A_283 = tpu.memref_squeeze %dma_start3A_282 : memref<1x128x128xf32, #tpu.memory_space<vmem>> -> memref<128x128xf32, #tpu.memory_space<vmem>>
        %dma_start3A_284 = arith.constant 0 : i32
        %dma_start3A_285 = tpu.memref_slice %arg5[%add3A_278, %dma_start3A_284] : memref<160x128xi32, #tpu.memory_space<vmem>> -> memref<1x128xi32, #tpu.memory_space<vmem>>
        %dma_start3A_286 = tpu.memref_squeeze %dma_start3A_285 : memref<1x128xi32, #tpu.memory_space<vmem>> -> memref<128xi32, #tpu.memory_space<vmem>>
        %dma_start3A_287 = arith.constant 0 : i32
        %dma_start3A_288 = arith.constant 0 : i32
        %dma_start3A_289 = tpu.memref_slice %arg7[%dma_start3A_287, %dma_start3A_288] : memref<1024x128xf32, #tpu.memory_space<vmem_shared>> -> memref<1024x128xf32, #tpu.memory_space<vmem_shared>>
        tpu.enqueue_indirect_dma source(%dma_start3A_289 : memref<1024x128xf32, #tpu.memory_space<vmem_shared>>) target(%dma_start3A_283 : memref<128x128xf32, #tpu.memory_space<vmem>>) offsets(%dma_start3A_286 : memref<128xi32, #tpu.memory_space<vmem>>) semaphore(%arg11 : memref<!tpu.dma_semaphore, #tpu.memory_space<semaphore_mem>>)
      } else {
      }
    }
    %scan3A_56 = arith.constant 40 : i32
    %add3A_57 = arith.constant 19968 : i32
    %add3A_58 = arith.addi %mul3A_2, %add3A_57 : i32
    %dma_wait3A = arith.constant 0 : i32
    %dma_wait3A_59 = arith.constant 0 : i32
    %dma_wait3A_60 = arith.constant 0 : i32
    %dma_wait3A_61 = tpu.memref_slice %arg6[%dma_wait3A, %dma_wait3A_59, %dma_wait3A_60] : memref<4x128x128xf32, #tpu.memory_space<vmem>> -> memref<1x128x128xf32, #tpu.memory_space<vmem>>
    %dma_wait3A_62 = tpu.memref_squeeze %dma_wait3A_61 : memref<1x128x128xf32, #tpu.memory_space<vmem>> -> memref<128x128xf32, #tpu.memory_space<vmem>>
    %dma_wait3A_63 = arith.constant 0 : i32
    %dma_wait3A_64 = tpu.memref_slice %arg4[%add3A_58, %dma_wait3A_63] : memref<655360x128xf32, #tpu.memory_space<hbm>> -> memref<128x128xf32, #tpu.memory_space<hbm>>
    %dma_wait3A_65 = arith.constant 0 : i32
    %dma_wait3A_66 = tpu.memref_slice %arg4[%add3A_58, %dma_wait3A_65] : memref<655360x128xf32, #tpu.memory_space<hbm>> -> memref<128x128xf32, #tpu.memory_space<hbm>>
    %dma_wait3A_67 = arith.constant 0 : i32
    %dma_wait3A_68 = arith.constant 0 : i32
    %dma_wait3A_69 = tpu.memref_slice %arg6[%dma_wait3A, %dma_wait3A_67, %dma_wait3A_68] : memref<4x128x128xf32, #tpu.memory_space<vmem>> -> memref<1x128x128xf32, #tpu.memory_space<vmem>>
    %dma_wait3A_70 = tpu.memref_squeeze %dma_wait3A_69 : memref<1x128x128xf32, #tpu.memory_space<vmem>> -> memref<128x128xf32, #tpu.memory_space<vmem>>
    tpu.wait_dma2 semaphore(%arg12 : memref<!tpu.dma_semaphore, #tpu.memory_space<semaphore_mem>>) src(%dma_wait3A_70 : memref<128x128xf32, #tpu.memory_space<vmem>>) dst(%dma_wait3A_66 : memref<128x128xf32, #tpu.memory_space<hbm>>)
    %add3A_71 = arith.constant 20096 : i32
    %add3A_72 = arith.addi %mul3A_2, %add3A_71 : i32
    %dma_wait3A_73 = arith.constant 1 : i32
    %dma_wait3A_74 = arith.constant 0 : i32
    %dma_wait3A_75 = arith.constant 0 : i32
    %dma_wait3A_76 = tpu.memref_slice %arg6[%dma_wait3A_73, %dma_wait3A_74, %dma_wait3A_75] : memref<4x128x128xf32, #tpu.memory_space<vmem>> -> memref<1x128x128xf32, #tpu.memory_space<vmem>>
    %dma_wait3A_77 = tpu.memref_squeeze %dma_wait3A_76 : memref<1x128x128xf32, #tpu.memory_space<vmem>> -> memref<128x128xf32, #tpu.memory_space<vmem>>
    %dma_wait3A_78 = arith.constant 0 : i32
    %dma_wait3A_79 = tpu.memref_slice %arg4[%add3A_72, %dma_wait3A_78] : memref<655360x128xf32, #tpu.memory_space<hbm>> -> memref<128x128xf32, #tpu.memory_space<hbm>>
    %dma_wait3A_80 = arith.constant 0 : i32
    %dma_wait3A_81 = tpu.memref_slice %arg4[%add3A_72, %dma_wait3A_80] : memref<655360x128xf32, #tpu.memory_space<hbm>> -> memref<128x128xf32, #tpu.memory_space<hbm>>
    %dma_wait3A_82 = arith.constant 0 : i32
    %dma_wait3A_83 = arith.constant 0 : i32
    %dma_wait3A_84 = tpu.memref_slice %arg6[%dma_wait3A_73, %dma_wait3A_82, %dma_wait3A_83] : memref<4x128x128xf32, #tpu.memory_space<vmem>> -> memref<1x128x128xf32, #tpu.memory_space<vmem>>
    %dma_wait3A_85 = tpu.memref_squeeze %dma_wait3A_84 : memref<1x128x128xf32, #tpu.memory_space<vmem>> -> memref<128x128xf32, #tpu.memory_space<vmem>>
    tpu.wait_dma2 semaphore(%arg13 : memref<!tpu.dma_semaphore, #tpu.memory_space<semaphore_mem>>) src(%dma_wait3A_85 : memref<128x128xf32, #tpu.memory_space<vmem>>) dst(%dma_wait3A_81 : memref<128x128xf32, #tpu.memory_space<hbm>>)
    %add3A_86 = arith.constant 20224 : i32
    %add3A_87 = arith.addi %mul3A_2, %add3A_86 : i32
    %dma_wait3A_88 = arith.constant 2 : i32
    %dma_wait3A_89 = arith.constant 0 : i32
    %dma_wait3A_90 = arith.constant 0 : i32
    %dma_wait3A_91 = tpu.memref_slice %arg6[%dma_wait3A_88, %dma_wait3A_89, %dma_wait3A_90] : memref<4x128x128xf32, #tpu.memory_space<vmem>> -> memref<1x128x128xf32, #tpu.memory_space<vmem>>
    %dma_wait3A_92 = tpu.memref_squeeze %dma_wait3A_91 : memref<1x128x128xf32, #tpu.memory_space<vmem>> -> memref<128x128xf32, #tpu.memory_space<vmem>>
    %dma_wait3A_93 = arith.constant 0 : i32
    %dma_wait3A_94 = tpu.memref_slice %arg4[%add3A_87, %dma_wait3A_93] : memref<655360x128xf32, #tpu.memory_space<hbm>> -> memref<128x128xf32, #tpu.memory_space<hbm>>
    %dma_wait3A_95 = arith.constant 0 : i32
    %dma_wait3A_96 = tpu.memref_slice %arg4[%add3A_87, %dma_wait3A_95] : memref<655360x128xf32, #tpu.memory_space<hbm>> -> memref<128x128xf32, #tpu.memory_space<hbm>>
    %dma_wait3A_97 = arith.constant 0 : i32
    %dma_wait3A_98 = arith.constant 0 : i32
    %dma_wait3A_99 = tpu.memref_slice %arg6[%dma_wait3A_88, %dma_wait3A_97, %dma_wait3A_98] : memref<4x128x128xf32, #tpu.memory_space<vmem>> -> memref<1x128x128xf32, #tpu.memory_space<vmem>>
    %dma_wait3A_100 = tpu.memref_squeeze %dma_wait3A_99 : memref<1x128x128xf32, #tpu.memory_space<vmem>> -> memref<128x128xf32, #tpu.memory_space<vmem>>
    tpu.wait_dma2 semaphore(%arg14 : memref<!tpu.dma_semaphore, #tpu.memory_space<semaphore_mem>>) src(%dma_wait3A_100 : memref<128x128xf32, #tpu.memory_space<vmem>>) dst(%dma_wait3A_96 : memref<128x128xf32, #tpu.memory_space<hbm>>)
    %add3A_101 = arith.constant 20352 : i32
    %add3A_102 = arith.addi %mul3A_2, %add3A_101 : i32
    %dma_wait3A_103 = arith.constant 3 : i32
    %dma_wait3A_104 = arith.constant 0 : i32
    %dma_wait3A_105 = arith.constant 0 : i32
    %dma_wait3A_106 = tpu.memref_slice %arg6[%dma_wait3A_103, %dma_wait3A_104, %dma_wait3A_105] : memref<4x128x128xf32, #tpu.memory_space<vmem>> -> memref<1x128x128xf32, #tpu.memory_space<vmem>>
    %dma_wait3A_107 = tpu.memref_squeeze %dma_wait3A_106 : memref<1x128x128xf32, #tpu.memory_space<vmem>> -> memref<128x128xf32, #tpu.memory_space<vmem>>
    %dma_wait3A_108 = arith.constant 0 : i32
    %dma_wait3A_109 = tpu.memref_slice %arg4[%add3A_102, %dma_wait3A_108] : memref<655360x128xf32, #tpu.memory_space<hbm>> -> memref<128x128xf32, #tpu.memory_space<hbm>>
    %dma_wait3A_110 = arith.constant 0 : i32
    %dma_wait3A_111 = tpu.memref_slice %arg4[%add3A_102, %dma_wait3A_110] : memref<655360x128xf32, #tpu.memory_space<hbm>> -> memref<128x128xf32, #tpu.memory_space<hbm>>
    %dma_wait3A_112 = arith.constant 0 : i32
    %dma_wait3A_113 = arith.constant 0 : i32
    %dma_wait3A_114 = tpu.memref_slice %arg6[%dma_wait3A_103, %dma_wait3A_112, %dma_wait3A_113] : memref<4x128x128xf32, #tpu.memory_space<vmem>> -> memref<1x128x128xf32, #tpu.memory_space<vmem>>
    %dma_wait3A_115 = tpu.memref_squeeze %dma_wait3A_114 : memref<1x128x128xf32, #tpu.memory_space<vmem>> -> memref<128x128xf32, #tpu.memory_space<vmem>>
    tpu.wait_dma2 semaphore(%arg15 : memref<!tpu.dma_semaphore, #tpu.memory_space<semaphore_mem>>) src(%dma_wait3A_115 : memref<128x128xf32, #tpu.memory_space<vmem>>) dst(%dma_wait3A_111 : memref<128x128xf32, #tpu.memory_space<hbm>>)
    return
  }
}

module attributes {stable_mosaic.version = 14 : i64} {
  func.func @_prep_body(%arg0: memref<8x42xf32, #tpu.memory_space<vmem>>, %arg1: memref<8x42xf32, #tpu.memory_space<vmem>>, %arg2: memref<3x44xf32, #tpu.memory_space<vmem>>, %arg3: memref<12x42xf32, #tpu.memory_space<vmem>>, %arg4: memref<12x42xf32, #tpu.memory_space<vmem>>, %arg5: memref<2x44xf32, #tpu.memory_space<vmem>>, %arg6: memref<256x128xf32, #tpu.memory_space<vmem>>, %arg7: memref<1x256xf32, #tpu.memory_space<vmem>>, %arg8: memref<5120x64xi32, #tpu.memory_space<vmem>>, %arg9: memref<5120x64xi32, #tpu.memory_space<vmem>>, %arg10: memref<5120x64xi32, #tpu.memory_space<vmem>>, %arg11: memref<1024x128xf32, #tpu.memory_space<vmem>>, %arg12: memref<5120x128xi32, #tpu.memory_space<vmem>>) attributes {dimension_semantics = [], scalar_prefetch = 0 : i64, scratch_operands = 0 : i64, tpu.core_type = #tpu.core_type<tc>} {
    %get3A = arith.constant 0 : index
    %get3A_0 = arith.constant 0 : index
    %get3A_1 = vector.load %arg6[%get3A, %get3A_0] : memref<256x128xf32, #tpu.memory_space<vmem>>, vector<256x128xf32>
    %slice3A = vector.extract_strided_slice %get3A_1 {offsets = [0, 0], sizes = [256, 42], strides = [1, 1]} : vector<256x128xf32> to vector<256x42xf32>
    %slice3A_2 = vector.extract_strided_slice %get3A_1 {offsets = [0, 42], sizes = [256, 42], strides = [1, 1]} : vector<256x128xf32> to vector<256x42xf32>
    %slice3A_3 = vector.extract_strided_slice %get3A_1 {offsets = [0, 84], sizes = [256, 44], strides = [1, 1]} : vector<256x128xf32> to vector<256x44xf32>
    %get3A_4 = arith.constant 0 : index
    %get3A_5 = arith.constant 0 : index
    %get3A_6 = vector.load %arg0[%get3A_4, %get3A_5] : memref<8x42xf32, #tpu.memory_space<vmem>>, vector<8x42xf32>
    %dot_general3A = arith.constant dense<0.000000e+00> : vector<8x256xf32>
    %dot_general3A_7 = tpu.matmul %get3A_6, %slice3A, %dot_general3A {dimension_numbers = #tpu.dot_dimension_numbers<[1], [1], [0], [0], [0, 0, 1, 0], [], []>, transpose_lhs_hint = false} : vector<8x42xf32>, vector<256x42xf32>, vector<8x256xf32> -> vector<8x256xf32>
    %get3A_8 = arith.constant 0 : index
    %get3A_9 = arith.constant 0 : index
    %get3A_10 = vector.load %arg1[%get3A_8, %get3A_9] : memref<8x42xf32, #tpu.memory_space<vmem>>, vector<8x42xf32>
    %dot_general3A_11 = arith.constant dense<0.000000e+00> : vector<8x256xf32>
    %dot_general3A_12 = tpu.matmul %get3A_10, %slice3A_2, %dot_general3A_11 {dimension_numbers = #tpu.dot_dimension_numbers<[1], [1], [0], [0], [0, 0, 1, 0], [], []>, transpose_lhs_hint = false} : vector<8x42xf32>, vector<256x42xf32>, vector<8x256xf32> -> vector<8x256xf32>
    %get3A_13 = arith.constant 0 : index
    %get3A_14 = arith.constant 0 : index
    %get3A_15 = vector.load %arg2[%get3A_13, %get3A_14] : memref<3x44xf32, #tpu.memory_space<vmem>>, vector<3x44xf32>
    %dot_general3A_16 = arith.constant dense<0.000000e+00> : vector<3x256xf32>
    %dot_general3A_17 = tpu.matmul %get3A_15, %slice3A_3, %dot_general3A_16 {dimension_numbers = #tpu.dot_dimension_numbers<[1], [1], [0], [0], [0, 0, 1, 0], [], []>, transpose_lhs_hint = false} : vector<3x44xf32>, vector<256x44xf32>, vector<3x256xf32> -> vector<3x256xf32>
    %get3A_18 = arith.constant 0 : index
    %get3A_19 = arith.constant 0 : index
    %get3A_20 = vector.load %arg3[%get3A_18, %get3A_19] : memref<12x42xf32, #tpu.memory_space<vmem>>, vector<12x42xf32>
    %dot_general3A_21 = arith.constant dense<0.000000e+00> : vector<12x256xf32>
    %dot_general3A_22 = tpu.matmul %get3A_20, %slice3A, %dot_general3A_21 {dimension_numbers = #tpu.dot_dimension_numbers<[1], [1], [0], [0], [0, 0, 1, 0], [], []>, transpose_lhs_hint = false} : vector<12x42xf32>, vector<256x42xf32>, vector<12x256xf32> -> vector<12x256xf32>
    %get3A_23 = arith.constant 0 : index
    %get3A_24 = arith.constant 0 : index
    %get3A_25 = vector.load %arg4[%get3A_23, %get3A_24] : memref<12x42xf32, #tpu.memory_space<vmem>>, vector<12x42xf32>
    %dot_general3A_26 = arith.constant dense<0.000000e+00> : vector<12x256xf32>
    %dot_general3A_27 = tpu.matmul %get3A_25, %slice3A_2, %dot_general3A_26 {dimension_numbers = #tpu.dot_dimension_numbers<[1], [1], [0], [0], [0, 0, 1, 0], [], []>, transpose_lhs_hint = false} : vector<12x42xf32>, vector<256x42xf32>, vector<12x256xf32> -> vector<12x256xf32>
    %get3A_28 = arith.constant 0 : index
    %get3A_29 = arith.constant 0 : index
    %get3A_30 = vector.load %arg5[%get3A_28, %get3A_29] : memref<2x44xf32, #tpu.memory_space<vmem>>, vector<2x44xf32>
    %dot_general3A_31 = arith.constant dense<0.000000e+00> : vector<2x256xf32>
    %dot_general3A_32 = tpu.matmul %get3A_30, %slice3A_3, %dot_general3A_31 {dimension_numbers = #tpu.dot_dimension_numbers<[1], [1], [0], [0], [0, 0, 1, 0], [], []>, transpose_lhs_hint = false} : vector<2x44xf32>, vector<256x44xf32>, vector<2x256xf32> -> vector<2x256xf32>
    %get3A_33 = arith.constant 0 : index
    %get3A_34 = arith.constant 0 : index
    %get3A_35 = vector.load %arg7[%get3A_33, %get3A_34] : memref<1x256xf32, #tpu.memory_space<vmem>>, vector<1x256xf32>
    %iota3A = tpu.iota {dimensions = array<i32: 0>} : vector<192x8xi32>
    %iota3A_36 = tpu.iota {dimensions = array<i32: 1>} : vector<192x8xi32>
    %jit3A = arith.constant 24 : i32
    %div3A = vector.broadcast %jit3A : i32 to vector<192x8xi32>
    %div3A_37 = arith.divsi %iota3A, %div3A : vector<192x8xi32>
    %sign3A = arith.constant 0 : i32
    %sign3A_38 = vector.broadcast %sign3A : i32 to vector<192x8xi32>
    %sign3A_39 = arith.cmpi sgt, %iota3A, %sign3A_38 : vector<192x8xi32>
    %sign3A_40 = arith.extui %sign3A_39 : vector<192x8xi1> to vector<192x8xi32>
    %sign3A_41 = arith.constant 0 : i32
    %sign3A_42 = vector.broadcast %sign3A_41 : i32 to vector<192x8xi32>
    %sign3A_43 = arith.cmpi slt, %iota3A, %sign3A_42 : vector<192x8xi32>
    %sign3A_44 = arith.extui %sign3A_43 : vector<192x8xi1> to vector<192x8xi32>
    %sign3A_45 = arith.subi %sign3A_40, %sign3A_44 : vector<192x8xi32>
    %sign3A_46 = arith.constant 0 : i32
    %sign3A_47 = arith.cmpi sgt, %jit3A, %sign3A_46 : i32
    %sign3A_48 = arith.extui %sign3A_47 : i1 to i32
    %sign3A_49 = arith.constant 0 : i32
    %sign3A_50 = arith.cmpi slt, %jit3A, %sign3A_49 : i32
    %sign3A_51 = arith.extui %sign3A_50 : i1 to i32
    %sign3A_52 = arith.subi %sign3A_48, %sign3A_51 : i32
    %ne3A = vector.broadcast %sign3A_52 : i32 to vector<192x8xi32>
    %ne3A_53 = arith.cmpi ne, %sign3A_45, %ne3A : vector<192x8xi32>
    %rem3A = vector.broadcast %jit3A : i32 to vector<192x8xi32>
    %rem3A_54 = arith.remsi %iota3A, %rem3A : vector<192x8xi32>
    %ne3A_55 = arith.constant 0 : i32
    %ne3A_56 = vector.broadcast %ne3A_55 : i32 to vector<192x8xi32>
    %ne3A_57 = arith.cmpi ne, %rem3A_54, %ne3A_56 : vector<192x8xi32>
    %and3A = arith.andi %ne3A_53, %ne3A_57 : vector<192x8xi1>
    %sub3A = arith.constant 1 : i32
    %sub3A_58 = vector.broadcast %sub3A : i32 to vector<192x8xi32>
    %sub3A_59 = arith.subi %div3A_37, %sub3A_58 : vector<192x8xi32>
    %select_n3A = arith.select %and3A, %sub3A_59, %div3A_37 : vector<192x8xi1>, vector<192x8xi32>
    %eq3A = arith.cmpi eq, %select_n3A, %iota3A_36 : vector<192x8xi32>
    %convert_element_type3A = arith.extui %eq3A : vector<192x8xi1> to vector<192x8xi32>
    %convert_element_type3A_60 = arith.sitofp %convert_element_type3A : vector<192x8xi32> to vector<192x8xf32>
    %iota3A_61 = tpu.iota {dimensions = array<i32: 0>} : vector<192x8xi32>
    %iota3A_62 = tpu.iota {dimensions = array<i32: 1>} : vector<192x8xi32>
    %jit3A_63 = arith.constant 3 : i32
    %div3A_64 = vector.broadcast %jit3A_63 : i32 to vector<192x8xi32>
    %div3A_65 = arith.divsi %iota3A_61, %div3A_64 : vector<192x8xi32>
    %sign3A_66 = arith.constant 0 : i32
    %sign3A_67 = vector.broadcast %sign3A_66 : i32 to vector<192x8xi32>
    %sign3A_68 = arith.cmpi sgt, %iota3A_61, %sign3A_67 : vector<192x8xi32>
    %sign3A_69 = arith.extui %sign3A_68 : vector<192x8xi1> to vector<192x8xi32>
    %sign3A_70 = arith.constant 0 : i32
    %sign3A_71 = vector.broadcast %sign3A_70 : i32 to vector<192x8xi32>
    %sign3A_72 = arith.cmpi slt, %iota3A_61, %sign3A_71 : vector<192x8xi32>
    %sign3A_73 = arith.extui %sign3A_72 : vector<192x8xi1> to vector<192x8xi32>
    %sign3A_74 = arith.subi %sign3A_69, %sign3A_73 : vector<192x8xi32>
    %sign3A_75 = arith.constant 0 : i32
    %sign3A_76 = arith.cmpi sgt, %jit3A_63, %sign3A_75 : i32
    %sign3A_77 = arith.extui %sign3A_76 : i1 to i32
    %sign3A_78 = arith.constant 0 : i32
    %sign3A_79 = arith.cmpi slt, %jit3A_63, %sign3A_78 : i32
    %sign3A_80 = arith.extui %sign3A_79 : i1 to i32
    %sign3A_81 = arith.subi %sign3A_77, %sign3A_80 : i32
    %ne3A_82 = vector.broadcast %sign3A_81 : i32 to vector<192x8xi32>
    %ne3A_83 = arith.cmpi ne, %sign3A_74, %ne3A_82 : vector<192x8xi32>
    %rem3A_84 = vector.broadcast %jit3A_63 : i32 to vector<192x8xi32>
    %rem3A_85 = arith.remsi %iota3A_61, %rem3A_84 : vector<192x8xi32>
    %ne3A_86 = arith.constant 0 : i32
    %ne3A_87 = vector.broadcast %ne3A_86 : i32 to vector<192x8xi32>
    %ne3A_88 = arith.cmpi ne, %rem3A_85, %ne3A_87 : vector<192x8xi32>
    %and3A_89 = arith.andi %ne3A_83, %ne3A_88 : vector<192x8xi1>
    %sub3A_90 = arith.constant 1 : i32
    %sub3A_91 = vector.broadcast %sub3A_90 : i32 to vector<192x8xi32>
    %sub3A_92 = arith.subi %div3A_65, %sub3A_91 : vector<192x8xi32>
    %select_n3A_93 = arith.select %and3A_89, %sub3A_92, %div3A_65 : vector<192x8xi1>, vector<192x8xi32>
    %jit3A_94 = arith.constant 8 : i32
    %eq3A_95 = arith.constant 0 : i32
    %eq3A_96 = arith.cmpi eq, %jit3A_94, %eq3A_95 : i32
    %jit3A_97 = arith.constant 1 : i32
    %select_n3A_98 = arith.select %eq3A_96, %jit3A_97, %jit3A_94 : i32
    %rem3A_99 = vector.broadcast %select_n3A_98 : i32 to vector<192x8xi32>
    %rem3A_100 = arith.remsi %select_n3A_93, %rem3A_99 : vector<192x8xi32>
    %ne3A_101 = arith.constant 0 : i32
    %ne3A_102 = vector.broadcast %ne3A_101 : i32 to vector<192x8xi32>
    %ne3A_103 = arith.cmpi ne, %rem3A_100, %ne3A_102 : vector<192x8xi32>
    %lt3A = arith.constant 0 : i32
    %lt3A_104 = vector.broadcast %lt3A : i32 to vector<192x8xi32>
    %lt3A_105 = arith.cmpi slt, %rem3A_100, %lt3A_104 : vector<192x8xi32>
    %lt3A_106 = arith.constant 0 : i32
    %lt3A_107 = arith.cmpi slt, %select_n3A_98, %lt3A_106 : i32
    %ne3A_108 = vector.broadcast %lt3A_107 : i1 to vector<192x8xi1>
    %ne3A_109 = vector.broadcast %ne3A_108 : vector<192x8xi1> to vector<192x8xi1>
    %ne3A_110 = arith.xori %lt3A_105, %ne3A_109 : vector<192x8xi1>
    %and3A_111 = arith.andi %ne3A_110, %ne3A_103 : vector<192x8xi1>
    %add3A = vector.broadcast %select_n3A_98 : i32 to vector<192x8xi32>
    %add3A_112 = arith.addi %rem3A_100, %add3A : vector<192x8xi32>
    %select_n3A_113 = arith.select %and3A_111, %add3A_112, %rem3A_100 : vector<192x8xi1>, vector<192x8xi32>
    %eq3A_114 = arith.cmpi eq, %select_n3A_113, %iota3A_62 : vector<192x8xi32>
    %convert_element_type3A_115 = arith.extui %eq3A_114 : vector<192x8xi1> to vector<192x8xi32>
    %convert_element_type3A_116 = arith.sitofp %convert_element_type3A_115 : vector<192x8xi32> to vector<192x8xf32>
    %iota3A_117 = tpu.iota {dimensions = array<i32: 0>} : vector<192x3xi32>
    %iota3A_118 = tpu.iota {dimensions = array<i32: 1>} : vector<192x3xi32>
    %jit3A_119 = arith.constant 3 : i32
    %eq3A_120 = arith.constant 0 : i32
    %eq3A_121 = arith.cmpi eq, %jit3A_119, %eq3A_120 : i32
    %jit3A_122 = arith.constant 1 : i32
    %select_n3A_123 = arith.select %eq3A_121, %jit3A_122, %jit3A_119 : i32
    %rem3A_124 = vector.broadcast %select_n3A_123 : i32 to vector<192x3xi32>
    %rem3A_125 = arith.remsi %iota3A_117, %rem3A_124 : vector<192x3xi32>
    %ne3A_126 = arith.constant 0 : i32
    %ne3A_127 = vector.broadcast %ne3A_126 : i32 to vector<192x3xi32>
    %ne3A_128 = arith.cmpi ne, %rem3A_125, %ne3A_127 : vector<192x3xi32>
    %lt3A_129 = arith.constant 0 : i32
    %lt3A_130 = vector.broadcast %lt3A_129 : i32 to vector<192x3xi32>
    %lt3A_131 = arith.cmpi slt, %rem3A_125, %lt3A_130 : vector<192x3xi32>
    %lt3A_132 = arith.constant 0 : i32
    %lt3A_133 = arith.cmpi slt, %select_n3A_123, %lt3A_132 : i32
    %ne3A_134 = vector.broadcast %lt3A_133 : i1 to vector<192x3xi1>
    %ne3A_135 = vector.broadcast %ne3A_134 : vector<192x3xi1> to vector<192x3xi1>
    %ne3A_136 = arith.xori %lt3A_131, %ne3A_135 : vector<192x3xi1>
    %and3A_137 = arith.andi %ne3A_136, %ne3A_128 : vector<192x3xi1>
    %add3A_138 = vector.broadcast %select_n3A_123 : i32 to vector<192x3xi32>
    %add3A_139 = arith.addi %rem3A_125, %add3A_138 : vector<192x3xi32>
    %select_n3A_140 = arith.select %and3A_137, %add3A_139, %rem3A_125 : vector<192x3xi1>, vector<192x3xi32>
    %eq3A_141 = arith.cmpi eq, %select_n3A_140, %iota3A_118 : vector<192x3xi32>
    %convert_element_type3A_142 = arith.extui %eq3A_141 : vector<192x3xi1> to vector<192x3xi32>
    %convert_element_type3A_143 = arith.sitofp %convert_element_type3A_142 : vector<192x3xi32> to vector<192x3xf32>
    %dot_general3A_144 = arith.constant dense<0.000000e+00> : vector<192x256xf32>
    %dot_general3A_145 = tpu.matmul %convert_element_type3A_60, %dot_general3A_7, %dot_general3A_144 {dimension_numbers = #tpu.dot_dimension_numbers<[1], [0], [0], [1], [0, 0, 1, 1], [], []>, transpose_lhs_hint = false} : vector<192x8xf32>, vector<8x256xf32>, vector<192x256xf32> -> vector<192x256xf32>
    %dot_general3A_146 = arith.constant dense<0.000000e+00> : vector<192x256xf32>
    %dot_general3A_147 = tpu.matmul %convert_element_type3A_116, %dot_general3A_12, %dot_general3A_146 {dimension_numbers = #tpu.dot_dimension_numbers<[1], [0], [0], [1], [0, 0, 1, 1], [], []>, transpose_lhs_hint = false} : vector<192x8xf32>, vector<8x256xf32>, vector<192x256xf32> -> vector<192x256xf32>
    %add3A_148 = arith.addf %dot_general3A_145, %dot_general3A_147 : vector<192x256xf32>
    %dot_general3A_149 = arith.constant dense<0.000000e+00> : vector<192x256xf32>
    %dot_general3A_150 = tpu.matmul %convert_element_type3A_143, %dot_general3A_17, %dot_general3A_149 {dimension_numbers = #tpu.dot_dimension_numbers<[1], [0], [0], [1], [0, 0, 1, 1], [], []>, transpose_lhs_hint = false} : vector<192x3xf32>, vector<3x256xf32>, vector<192x256xf32> -> vector<192x256xf32>
    %add3A_151 = arith.addf %add3A_148, %dot_general3A_150 : vector<192x256xf32>
    %add3A_152 = vector.broadcast %get3A_35 : vector<1x256xf32> to vector<192x256xf32>
    %add3A_153 = arith.addf %add3A_151, %add3A_152 : vector<192x256xf32>
    %iota3A_154 = tpu.iota {dimensions = array<i32: 0>} : vector<288x12xi32>
    %iota3A_155 = tpu.iota {dimensions = array<i32: 1>} : vector<288x12xi32>
    %jit3A_156 = arith.constant 24 : i32
    %div3A_157 = vector.broadcast %jit3A_156 : i32 to vector<288x12xi32>
    %div3A_158 = arith.divsi %iota3A_154, %div3A_157 : vector<288x12xi32>
    %sign3A_159 = arith.constant 0 : i32
    %sign3A_160 = vector.broadcast %sign3A_159 : i32 to vector<288x12xi32>
    %sign3A_161 = arith.cmpi sgt, %iota3A_154, %sign3A_160 : vector<288x12xi32>
    %sign3A_162 = arith.extui %sign3A_161 : vector<288x12xi1> to vector<288x12xi32>
    %sign3A_163 = arith.constant 0 : i32
    %sign3A_164 = vector.broadcast %sign3A_163 : i32 to vector<288x12xi32>
    %sign3A_165 = arith.cmpi slt, %iota3A_154, %sign3A_164 : vector<288x12xi32>
    %sign3A_166 = arith.extui %sign3A_165 : vector<288x12xi1> to vector<288x12xi32>
    %sign3A_167 = arith.subi %sign3A_162, %sign3A_166 : vector<288x12xi32>
    %sign3A_168 = arith.constant 0 : i32
    %sign3A_169 = arith.cmpi sgt, %jit3A_156, %sign3A_168 : i32
    %sign3A_170 = arith.extui %sign3A_169 : i1 to i32
    %sign3A_171 = arith.constant 0 : i32
    %sign3A_172 = arith.cmpi slt, %jit3A_156, %sign3A_171 : i32
    %sign3A_173 = arith.extui %sign3A_172 : i1 to i32
    %sign3A_174 = arith.subi %sign3A_170, %sign3A_173 : i32
    %ne3A_175 = vector.broadcast %sign3A_174 : i32 to vector<288x12xi32>
    %ne3A_176 = arith.cmpi ne, %sign3A_167, %ne3A_175 : vector<288x12xi32>
    %rem3A_177 = vector.broadcast %jit3A_156 : i32 to vector<288x12xi32>
    %rem3A_178 = arith.remsi %iota3A_154, %rem3A_177 : vector<288x12xi32>
    %ne3A_179 = arith.constant 0 : i32
    %ne3A_180 = vector.broadcast %ne3A_179 : i32 to vector<288x12xi32>
    %ne3A_181 = arith.cmpi ne, %rem3A_178, %ne3A_180 : vector<288x12xi32>
    %and3A_182 = arith.andi %ne3A_176, %ne3A_181 : vector<288x12xi1>
    %sub3A_183 = arith.constant 1 : i32
    %sub3A_184 = vector.broadcast %sub3A_183 : i32 to vector<288x12xi32>
    %sub3A_185 = arith.subi %div3A_158, %sub3A_184 : vector<288x12xi32>
    %select_n3A_186 = arith.select %and3A_182, %sub3A_185, %div3A_158 : vector<288x12xi1>, vector<288x12xi32>
    %eq3A_187 = arith.cmpi eq, %select_n3A_186, %iota3A_155 : vector<288x12xi32>
    %convert_element_type3A_188 = arith.extui %eq3A_187 : vector<288x12xi1> to vector<288x12xi32>
    %convert_element_type3A_189 = arith.sitofp %convert_element_type3A_188 : vector<288x12xi32> to vector<288x12xf32>
    %iota3A_190 = tpu.iota {dimensions = array<i32: 0>} : vector<288x12xi32>
    %iota3A_191 = tpu.iota {dimensions = array<i32: 1>} : vector<288x12xi32>
    %jit3A_192 = arith.constant 2 : i32
    %div3A_193 = vector.broadcast %jit3A_192 : i32 to vector<288x12xi32>
    %div3A_194 = arith.divsi %iota3A_190, %div3A_193 : vector<288x12xi32>
    %sign3A_195 = arith.constant 0 : i32
    %sign3A_196 = vector.broadcast %sign3A_195 : i32 to vector<288x12xi32>
    %sign3A_197 = arith.cmpi sgt, %iota3A_190, %sign3A_196 : vector<288x12xi32>
    %sign3A_198 = arith.extui %sign3A_197 : vector<288x12xi1> to vector<288x12xi32>
    %sign3A_199 = arith.constant 0 : i32
    %sign3A_200 = vector.broadcast %sign3A_199 : i32 to vector<288x12xi32>
    %sign3A_201 = arith.cmpi slt, %iota3A_190, %sign3A_200 : vector<288x12xi32>
    %sign3A_202 = arith.extui %sign3A_201 : vector<288x12xi1> to vector<288x12xi32>
    %sign3A_203 = arith.subi %sign3A_198, %sign3A_202 : vector<288x12xi32>
    %sign3A_204 = arith.constant 0 : i32
    %sign3A_205 = arith.cmpi sgt, %jit3A_192, %sign3A_204 : i32
    %sign3A_206 = arith.extui %sign3A_205 : i1 to i32
    %sign3A_207 = arith.constant 0 : i32
    %sign3A_208 = arith.cmpi slt, %jit3A_192, %sign3A_207 : i32
    %sign3A_209 = arith.extui %sign3A_208 : i1 to i32
    %sign3A_210 = arith.subi %sign3A_206, %sign3A_209 : i32
    %ne3A_211 = vector.broadcast %sign3A_210 : i32 to vector<288x12xi32>
    %ne3A_212 = arith.cmpi ne, %sign3A_203, %ne3A_211 : vector<288x12xi32>
    %rem3A_213 = vector.broadcast %jit3A_192 : i32 to vector<288x12xi32>
    %rem3A_214 = arith.remsi %iota3A_190, %rem3A_213 : vector<288x12xi32>
    %ne3A_215 = arith.constant 0 : i32
    %ne3A_216 = vector.broadcast %ne3A_215 : i32 to vector<288x12xi32>
    %ne3A_217 = arith.cmpi ne, %rem3A_214, %ne3A_216 : vector<288x12xi32>
    %and3A_218 = arith.andi %ne3A_212, %ne3A_217 : vector<288x12xi1>
    %sub3A_219 = arith.constant 1 : i32
    %sub3A_220 = vector.broadcast %sub3A_219 : i32 to vector<288x12xi32>
    %sub3A_221 = arith.subi %div3A_194, %sub3A_220 : vector<288x12xi32>
    %select_n3A_222 = arith.select %and3A_218, %sub3A_221, %div3A_194 : vector<288x12xi1>, vector<288x12xi32>
    %jit3A_223 = arith.constant 12 : i32
    %eq3A_224 = arith.constant 0 : i32
    %eq3A_225 = arith.cmpi eq, %jit3A_223, %eq3A_224 : i32
    %jit3A_226 = arith.constant 1 : i32
    %select_n3A_227 = arith.select %eq3A_225, %jit3A_226, %jit3A_223 : i32
    %rem3A_228 = vector.broadcast %select_n3A_227 : i32 to vector<288x12xi32>
    %rem3A_229 = arith.remsi %select_n3A_222, %rem3A_228 : vector<288x12xi32>
    %ne3A_230 = arith.constant 0 : i32
    %ne3A_231 = vector.broadcast %ne3A_230 : i32 to vector<288x12xi32>
    %ne3A_232 = arith.cmpi ne, %rem3A_229, %ne3A_231 : vector<288x12xi32>
    %lt3A_233 = arith.constant 0 : i32
    %lt3A_234 = vector.broadcast %lt3A_233 : i32 to vector<288x12xi32>
    %lt3A_235 = arith.cmpi slt, %rem3A_229, %lt3A_234 : vector<288x12xi32>
    %lt3A_236 = arith.constant 0 : i32
    %lt3A_237 = arith.cmpi slt, %select_n3A_227, %lt3A_236 : i32
    %ne3A_238 = vector.broadcast %lt3A_237 : i1 to vector<288x12xi1>
    %ne3A_239 = vector.broadcast %ne3A_238 : vector<288x12xi1> to vector<288x12xi1>
    %ne3A_240 = arith.xori %lt3A_235, %ne3A_239 : vector<288x12xi1>
    %and3A_241 = arith.andi %ne3A_240, %ne3A_232 : vector<288x12xi1>
    %add3A_242 = vector.broadcast %select_n3A_227 : i32 to vector<288x12xi32>
    %add3A_243 = arith.addi %rem3A_229, %add3A_242 : vector<288x12xi32>
    %select_n3A_244 = arith.select %and3A_241, %add3A_243, %rem3A_229 : vector<288x12xi1>, vector<288x12xi32>
    %eq3A_245 = arith.cmpi eq, %select_n3A_244, %iota3A_191 : vector<288x12xi32>
    %convert_element_type3A_246 = arith.extui %eq3A_245 : vector<288x12xi1> to vector<288x12xi32>
    %convert_element_type3A_247 = arith.sitofp %convert_element_type3A_246 : vector<288x12xi32> to vector<288x12xf32>
    %iota3A_248 = tpu.iota {dimensions = array<i32: 0>} : vector<288x2xi32>
    %iota3A_249 = tpu.iota {dimensions = array<i32: 1>} : vector<288x2xi32>
    %jit3A_250 = arith.constant 2 : i32
    %eq3A_251 = arith.constant 0 : i32
    %eq3A_252 = arith.cmpi eq, %jit3A_250, %eq3A_251 : i32
    %jit3A_253 = arith.constant 1 : i32
    %select_n3A_254 = arith.select %eq3A_252, %jit3A_253, %jit3A_250 : i32
    %rem3A_255 = vector.broadcast %select_n3A_254 : i32 to vector<288x2xi32>
    %rem3A_256 = arith.remsi %iota3A_248, %rem3A_255 : vector<288x2xi32>
    %ne3A_257 = arith.constant 0 : i32
    %ne3A_258 = vector.broadcast %ne3A_257 : i32 to vector<288x2xi32>
    %ne3A_259 = arith.cmpi ne, %rem3A_256, %ne3A_258 : vector<288x2xi32>
    %lt3A_260 = arith.constant 0 : i32
    %lt3A_261 = vector.broadcast %lt3A_260 : i32 to vector<288x2xi32>
    %lt3A_262 = arith.cmpi slt, %rem3A_256, %lt3A_261 : vector<288x2xi32>
    %lt3A_263 = arith.constant 0 : i32
    %lt3A_264 = arith.cmpi slt, %select_n3A_254, %lt3A_263 : i32
    %ne3A_265 = vector.broadcast %lt3A_264 : i1 to vector<288x2xi1>
    %ne3A_266 = vector.broadcast %ne3A_265 : vector<288x2xi1> to vector<288x2xi1>
    %ne3A_267 = arith.xori %lt3A_262, %ne3A_266 : vector<288x2xi1>
    %and3A_268 = arith.andi %ne3A_267, %ne3A_259 : vector<288x2xi1>
    %add3A_269 = vector.broadcast %select_n3A_254 : i32 to vector<288x2xi32>
    %add3A_270 = arith.addi %rem3A_256, %add3A_269 : vector<288x2xi32>
    %select_n3A_271 = arith.select %and3A_268, %add3A_270, %rem3A_256 : vector<288x2xi1>, vector<288x2xi32>
    %eq3A_272 = arith.cmpi eq, %select_n3A_271, %iota3A_249 : vector<288x2xi32>
    %convert_element_type3A_273 = arith.extui %eq3A_272 : vector<288x2xi1> to vector<288x2xi32>
    %convert_element_type3A_274 = arith.sitofp %convert_element_type3A_273 : vector<288x2xi32> to vector<288x2xf32>
    %dot_general3A_275 = arith.constant dense<0.000000e+00> : vector<288x256xf32>
    %dot_general3A_276 = tpu.matmul %convert_element_type3A_189, %dot_general3A_22, %dot_general3A_275 {dimension_numbers = #tpu.dot_dimension_numbers<[1], [0], [0], [1], [0, 0, 1, 1], [], []>, transpose_lhs_hint = false} : vector<288x12xf32>, vector<12x256xf32>, vector<288x256xf32> -> vector<288x256xf32>
    %dot_general3A_277 = arith.constant dense<0.000000e+00> : vector<288x256xf32>
    %dot_general3A_278 = tpu.matmul %convert_element_type3A_247, %dot_general3A_27, %dot_general3A_277 {dimension_numbers = #tpu.dot_dimension_numbers<[1], [0], [0], [1], [0, 0, 1, 1], [], []>, transpose_lhs_hint = false} : vector<288x12xf32>, vector<12x256xf32>, vector<288x256xf32> -> vector<288x256xf32>
    %add3A_279 = arith.addf %dot_general3A_276, %dot_general3A_278 : vector<288x256xf32>
    %dot_general3A_280 = arith.constant dense<0.000000e+00> : vector<288x256xf32>
    %dot_general3A_281 = tpu.matmul %convert_element_type3A_274, %dot_general3A_32, %dot_general3A_280 {dimension_numbers = #tpu.dot_dimension_numbers<[1], [0], [0], [1], [0, 0, 1, 1], [], []>, transpose_lhs_hint = false} : vector<288x2xf32>, vector<2x256xf32>, vector<288x256xf32> -> vector<288x256xf32>
    %add3A_282 = arith.addf %add3A_279, %dot_general3A_281 : vector<288x256xf32>
    %add3A_283 = vector.broadcast %get3A_35 : vector<1x256xf32> to vector<288x256xf32>
    %add3A_284 = arith.addf %add3A_282, %add3A_283 : vector<288x256xf32>
    %broadcast_in_dim3A = arith.constant 0.000000e+00 : f32
    %broadcast_in_dim3A_285 = vector.broadcast %broadcast_in_dim3A : f32 to vector<32x128xf32>
    %slice3A_286 = vector.extract_strided_slice %add3A_153 {offsets = [0, 0], sizes = [192, 128], strides = [1, 1]} : vector<192x256xf32> to vector<192x128xf32>
    %swap3A = arith.constant 0 : index
    %swap3A_287 = arith.constant 0 : index
    %swap3A_288 = vector.load %arg11[%swap3A, %swap3A_287] : memref<1024x128xf32, #tpu.memory_space<vmem>>, vector<192x128xf32>
    tpu.vector_store %arg11[%swap3A, %swap3A_287], %slice3A_286 {strides = array<i32>} : memref<1024x128xf32, #tpu.memory_space<vmem>>, vector<192x128xf32>,
    %slice3A_289 = vector.extract_strided_slice %add3A_284 {offsets = [0, 0], sizes = [288, 128], strides = [1, 1]} : vector<288x256xf32> to vector<288x128xf32>
    %swap3A_290 = arith.constant 192 : index
    %swap3A_291 = arith.constant 0 : index
    %swap3A_292 = vector.load %arg11[%swap3A_290, %swap3A_291] : memref<1024x128xf32, #tpu.memory_space<vmem>>, vector<288x128xf32>
    tpu.vector_store %arg11[%swap3A_290, %swap3A_291], %slice3A_289 {strides = array<i32>} : memref<1024x128xf32, #tpu.memory_space<vmem>>, vector<288x128xf32>,
    %swap3A_293 = arith.constant 480 : index
    %swap3A_294 = arith.constant 0 : index
    %swap3A_295 = vector.load %arg11[%swap3A_293, %swap3A_294] : memref<1024x128xf32, #tpu.memory_space<vmem>>, vector<32x128xf32>
    tpu.vector_store %arg11[%swap3A_293, %swap3A_294], %broadcast_in_dim3A_285 {strides = array<i32>} : memref<1024x128xf32, #tpu.memory_space<vmem>>, vector<32x128xf32>,
    %slice3A_296 = vector.extract_strided_slice %add3A_153 {offsets = [0, 128], sizes = [192, 128], strides = [1, 1]} : vector<192x256xf32> to vector<192x128xf32>
    %swap3A_297 = arith.constant 512 : index
    %swap3A_298 = arith.constant 0 : index
    %swap3A_299 = vector.load %arg11[%swap3A_297, %swap3A_298] : memref<1024x128xf32, #tpu.memory_space<vmem>>, vector<192x128xf32>
    tpu.vector_store %arg11[%swap3A_297, %swap3A_298], %slice3A_296 {strides = array<i32>} : memref<1024x128xf32, #tpu.memory_space<vmem>>, vector<192x128xf32>,
    %slice3A_300 = vector.extract_strided_slice %add3A_284 {offsets = [0, 128], sizes = [288, 128], strides = [1, 1]} : vector<288x256xf32> to vector<288x128xf32>
    %swap3A_301 = arith.constant 704 : index
    %swap3A_302 = arith.constant 0 : index
    %swap3A_303 = vector.load %arg11[%swap3A_301, %swap3A_302] : memref<1024x128xf32, #tpu.memory_space<vmem>>, vector<288x128xf32>
    tpu.vector_store %arg11[%swap3A_301, %swap3A_302], %slice3A_300 {strides = array<i32>} : memref<1024x128xf32, #tpu.memory_space<vmem>>, vector<288x128xf32>,
    %swap3A_304 = arith.constant 992 : index
    %swap3A_305 = arith.constant 0 : index
    %swap3A_306 = vector.load %arg11[%swap3A_304, %swap3A_305] : memref<1024x128xf32, #tpu.memory_space<vmem>>, vector<32x128xf32>
    tpu.vector_store %arg11[%swap3A_304, %swap3A_305], %broadcast_in_dim3A_285 {strides = array<i32>} : memref<1024x128xf32, #tpu.memory_space<vmem>>, vector<32x128xf32>,
    %iota3A_307 = tpu.iota {dimensions = array<i32: 0>} : vector<5120x64xi32>
    %jit3A_308 = arith.constant 256 : i32
    %div3A_309 = vector.broadcast %jit3A_308 : i32 to vector<5120x64xi32>
    %div3A_310 = arith.divsi %iota3A_307, %div3A_309 : vector<5120x64xi32>
    %sign3A_311 = arith.constant 0 : i32
    %sign3A_312 = vector.broadcast %sign3A_311 : i32 to vector<5120x64xi32>
    %sign3A_313 = arith.cmpi sgt, %iota3A_307, %sign3A_312 : vector<5120x64xi32>
    %sign3A_314 = arith.extui %sign3A_313 : vector<5120x64xi1> to vector<5120x64xi32>
    %sign3A_315 = arith.constant 0 : i32
    %sign3A_316 = vector.broadcast %sign3A_315 : i32 to vector<5120x64xi32>
    %sign3A_317 = arith.cmpi slt, %iota3A_307, %sign3A_316 : vector<5120x64xi32>
    %sign3A_318 = arith.extui %sign3A_317 : vector<5120x64xi1> to vector<5120x64xi32>
    %sign3A_319 = arith.subi %sign3A_314, %sign3A_318 : vector<5120x64xi32>
    %sign3A_320 = arith.constant 0 : i32
    %sign3A_321 = arith.cmpi sgt, %jit3A_308, %sign3A_320 : i32
    %sign3A_322 = arith.extui %sign3A_321 : i1 to i32
    %sign3A_323 = arith.constant 0 : i32
    %sign3A_324 = arith.cmpi slt, %jit3A_308, %sign3A_323 : i32
    %sign3A_325 = arith.extui %sign3A_324 : i1 to i32
    %sign3A_326 = arith.subi %sign3A_322, %sign3A_325 : i32
    %ne3A_327 = vector.broadcast %sign3A_326 : i32 to vector<5120x64xi32>
    %ne3A_328 = arith.cmpi ne, %sign3A_319, %ne3A_327 : vector<5120x64xi32>
    %rem3A_329 = vector.broadcast %jit3A_308 : i32 to vector<5120x64xi32>
    %rem3A_330 = arith.remsi %iota3A_307, %rem3A_329 : vector<5120x64xi32>
    %ne3A_331 = arith.constant 0 : i32
    %ne3A_332 = vector.broadcast %ne3A_331 : i32 to vector<5120x64xi32>
    %ne3A_333 = arith.cmpi ne, %rem3A_330, %ne3A_332 : vector<5120x64xi32>
    %and3A_334 = arith.andi %ne3A_328, %ne3A_333 : vector<5120x64xi1>
    %sub3A_335 = arith.constant 1 : i32
    %sub3A_336 = vector.broadcast %sub3A_335 : i32 to vector<5120x64xi32>
    %sub3A_337 = arith.subi %div3A_310, %sub3A_336 : vector<5120x64xi32>
    %select_n3A_338 = arith.select %and3A_334, %sub3A_337, %div3A_310 : vector<5120x64xi1>, vector<5120x64xi32>
    %get3A_339 = arith.constant 0 : index
    %get3A_340 = arith.constant 0 : index
    %get3A_341 = vector.load %arg8[%get3A_339, %get3A_340] : memref<5120x64xi32, #tpu.memory_space<vmem>>, vector<5120x64xi32>
    %get3A_342 = arith.constant 0 : index
    %get3A_343 = arith.constant 0 : index
    %get3A_344 = vector.load %arg9[%get3A_342, %get3A_343] : memref<5120x64xi32, #tpu.memory_space<vmem>>, vector<5120x64xi32>
    %get3A_345 = arith.constant 0 : index
    %get3A_346 = arith.constant 0 : index
    %get3A_347 = vector.load %arg10[%get3A_345, %get3A_346] : memref<5120x64xi32, #tpu.memory_space<vmem>>, vector<5120x64xi32>
    %lt3A_348 = arith.constant 8 : i32
    %lt3A_349 = vector.broadcast %lt3A_348 : i32 to vector<5120x64xi32>
    %lt3A_350 = arith.cmpi slt, %select_n3A_338, %lt3A_349 : vector<5120x64xi32>
    %mul3A = arith.constant 24 : i32
    %mul3A_351 = vector.broadcast %mul3A : i32 to vector<5120x64xi32>
    %mul3A_352 = arith.muli %get3A_341, %mul3A_351 : vector<5120x64xi32>
    %mul3A_353 = arith.constant 3 : i32
    %mul3A_354 = vector.broadcast %mul3A_353 : i32 to vector<5120x64xi32>
    %mul3A_355 = arith.muli %get3A_344, %mul3A_354 : vector<5120x64xi32>
    %add3A_356 = arith.addi %mul3A_352, %mul3A_355 : vector<5120x64xi32>
    %add3A_357 = arith.addi %add3A_356, %get3A_347 : vector<5120x64xi32>
    %mul3A_358 = arith.constant 24 : i32
    %mul3A_359 = vector.broadcast %mul3A_358 : i32 to vector<5120x64xi32>
    %mul3A_360 = arith.muli %get3A_341, %mul3A_359 : vector<5120x64xi32>
    %add3A_361 = arith.constant 192 : i32
    %add3A_362 = vector.broadcast %add3A_361 : i32 to vector<5120x64xi32>
    %add3A_363 = arith.addi %add3A_362, %mul3A_360 : vector<5120x64xi32>
    %mul3A_364 = arith.constant 2 : i32
    %mul3A_365 = vector.broadcast %mul3A_364 : i32 to vector<5120x64xi32>
    %mul3A_366 = arith.muli %get3A_344, %mul3A_365 : vector<5120x64xi32>
    %add3A_367 = arith.addi %add3A_363, %mul3A_366 : vector<5120x64xi32>
    %add3A_368 = arith.addi %add3A_367, %get3A_347 : vector<5120x64xi32>
    %select_n3A_369 = arith.select %lt3A_350, %add3A_357, %add3A_368 : vector<5120x64xi1>, vector<5120x64xi32>
    %convert_element_type3A_370 = arith.sitofp %select_n3A_369 : vector<5120x64xi32> to vector<5120x64xf32>
    %iota3A_371 = tpu.iota {dimensions = array<i32: 0>} : vector<64x128xi32>
    %iota3A_372 = tpu.iota {dimensions = array<i32: 1>} : vector<64x128xi32>
    %jit3A_373 = arith.constant 16 : i32
    %div3A_374 = vector.broadcast %jit3A_373 : i32 to vector<64x128xi32>
    %div3A_375 = arith.divsi %iota3A_372, %div3A_374 : vector<64x128xi32>
    %sign3A_376 = arith.constant 0 : i32
    %sign3A_377 = vector.broadcast %sign3A_376 : i32 to vector<64x128xi32>
    %sign3A_378 = arith.cmpi sgt, %iota3A_372, %sign3A_377 : vector<64x128xi32>
    %sign3A_379 = arith.extui %sign3A_378 : vector<64x128xi1> to vector<64x128xi32>
    %sign3A_380 = arith.constant 0 : i32
    %sign3A_381 = vector.broadcast %sign3A_380 : i32 to vector<64x128xi32>
    %sign3A_382 = arith.cmpi slt, %iota3A_372, %sign3A_381 : vector<64x128xi32>
    %sign3A_383 = arith.extui %sign3A_382 : vector<64x128xi1> to vector<64x128xi32>
    %sign3A_384 = arith.subi %sign3A_379, %sign3A_383 : vector<64x128xi32>
    %sign3A_385 = arith.constant 0 : i32
    %sign3A_386 = arith.cmpi sgt, %jit3A_373, %sign3A_385 : i32
    %sign3A_387 = arith.extui %sign3A_386 : i1 to i32
    %sign3A_388 = arith.constant 0 : i32
    %sign3A_389 = arith.cmpi slt, %jit3A_373, %sign3A_388 : i32
    %sign3A_390 = arith.extui %sign3A_389 : i1 to i32
    %sign3A_391 = arith.subi %sign3A_387, %sign3A_390 : i32
    %ne3A_392 = vector.broadcast %sign3A_391 : i32 to vector<64x128xi32>
    %ne3A_393 = arith.cmpi ne, %sign3A_384, %ne3A_392 : vector<64x128xi32>
    %rem3A_394 = vector.broadcast %jit3A_373 : i32 to vector<64x128xi32>
    %rem3A_395 = arith.remsi %iota3A_372, %rem3A_394 : vector<64x128xi32>
    %ne3A_396 = arith.constant 0 : i32
    %ne3A_397 = vector.broadcast %ne3A_396 : i32 to vector<64x128xi32>
    %ne3A_398 = arith.cmpi ne, %rem3A_395, %ne3A_397 : vector<64x128xi32>
    %and3A_399 = arith.andi %ne3A_393, %ne3A_398 : vector<64x128xi1>
    %sub3A_400 = arith.constant 1 : i32
    %sub3A_401 = vector.broadcast %sub3A_400 : i32 to vector<64x128xi32>
    %sub3A_402 = arith.subi %div3A_375, %sub3A_401 : vector<64x128xi32>
    %select_n3A_403 = arith.select %and3A_399, %sub3A_402, %div3A_375 : vector<64x128xi1>, vector<64x128xi32>
    %mul3A_404 = arith.constant 8 : i32
    %mul3A_405 = vector.broadcast %mul3A_404 : i32 to vector<64x128xi32>
    %mul3A_406 = arith.muli %mul3A_405, %select_n3A_403 : vector<64x128xi32>
    %jit3A_407 = arith.constant 8 : i32
    %eq3A_408 = arith.constant 0 : i32
    %eq3A_409 = arith.cmpi eq, %jit3A_407, %eq3A_408 : i32
    %jit3A_410 = arith.constant 1 : i32
    %select_n3A_411 = arith.select %eq3A_409, %jit3A_410, %jit3A_407 : i32
    %rem3A_412 = vector.broadcast %select_n3A_411 : i32 to vector<64x128xi32>
    %rem3A_413 = arith.remsi %iota3A_372, %rem3A_412 : vector<64x128xi32>
    %ne3A_414 = arith.constant 0 : i32
    %ne3A_415 = vector.broadcast %ne3A_414 : i32 to vector<64x128xi32>
    %ne3A_416 = arith.cmpi ne, %rem3A_413, %ne3A_415 : vector<64x128xi32>
    %lt3A_417 = arith.constant 0 : i32
    %lt3A_418 = vector.broadcast %lt3A_417 : i32 to vector<64x128xi32>
    %lt3A_419 = arith.cmpi slt, %rem3A_413, %lt3A_418 : vector<64x128xi32>
    %lt3A_420 = arith.constant 0 : i32
    %lt3A_421 = arith.cmpi slt, %select_n3A_411, %lt3A_420 : i32
    %ne3A_422 = vector.broadcast %lt3A_421 : i1 to vector<64x128xi1>
    %ne3A_423 = vector.broadcast %ne3A_422 : vector<64x128xi1> to vector<64x128xi1>
    %ne3A_424 = arith.xori %lt3A_419, %ne3A_423 : vector<64x128xi1>
    %and3A_425 = arith.andi %ne3A_424, %ne3A_416 : vector<64x128xi1>
    %add3A_426 = vector.broadcast %select_n3A_411 : i32 to vector<64x128xi32>
    %add3A_427 = arith.addi %rem3A_413, %add3A_426 : vector<64x128xi32>
    %select_n3A_428 = arith.select %and3A_425, %add3A_427, %rem3A_413 : vector<64x128xi1>, vector<64x128xi32>
    %add3A_429 = arith.addi %mul3A_406, %select_n3A_428 : vector<64x128xi32>
    %eq3A_430 = arith.cmpi eq, %iota3A_371, %add3A_429 : vector<64x128xi32>
    %convert_element_type3A_431 = arith.extui %eq3A_430 : vector<64x128xi1> to vector<64x128xi32>
    %convert_element_type3A_432 = arith.sitofp %convert_element_type3A_431 : vector<64x128xi32> to vector<64x128xf32>
    %iota3A_433 = tpu.iota {dimensions = array<i32: 1>} : vector<1x128xi32>
    %jit3A_434 = arith.constant 8 : i32
    %div3A_435 = vector.broadcast %jit3A_434 : i32 to vector<1x128xi32>
    %div3A_436 = arith.divsi %iota3A_433, %div3A_435 : vector<1x128xi32>
    %sign3A_437 = arith.constant 0 : i32
    %sign3A_438 = vector.broadcast %sign3A_437 : i32 to vector<1x128xi32>
    %sign3A_439 = arith.cmpi sgt, %iota3A_433, %sign3A_438 : vector<1x128xi32>
    %sign3A_440 = arith.extui %sign3A_439 : vector<1x128xi1> to vector<1x128xi32>
    %sign3A_441 = arith.constant 0 : i32
    %sign3A_442 = vector.broadcast %sign3A_441 : i32 to vector<1x128xi32>
    %sign3A_443 = arith.cmpi slt, %iota3A_433, %sign3A_442 : vector<1x128xi32>
    %sign3A_444 = arith.extui %sign3A_443 : vector<1x128xi1> to vector<1x128xi32>
    %sign3A_445 = arith.subi %sign3A_440, %sign3A_444 : vector<1x128xi32>
    %sign3A_446 = arith.constant 0 : i32
    %sign3A_447 = arith.cmpi sgt, %jit3A_434, %sign3A_446 : i32
    %sign3A_448 = arith.extui %sign3A_447 : i1 to i32
    %sign3A_449 = arith.constant 0 : i32
    %sign3A_450 = arith.cmpi slt, %jit3A_434, %sign3A_449 : i32
    %sign3A_451 = arith.extui %sign3A_450 : i1 to i32
    %sign3A_452 = arith.subi %sign3A_448, %sign3A_451 : i32
    %ne3A_453 = vector.broadcast %sign3A_452 : i32 to vector<1x128xi32>
    %ne3A_454 = arith.cmpi ne, %sign3A_445, %ne3A_453 : vector<1x128xi32>
    %rem3A_455 = vector.broadcast %jit3A_434 : i32 to vector<1x128xi32>
    %rem3A_456 = arith.remsi %iota3A_433, %rem3A_455 : vector<1x128xi32>
    %ne3A_457 = arith.constant 0 : i32
    %ne3A_458 = vector.broadcast %ne3A_457 : i32 to vector<1x128xi32>
    %ne3A_459 = arith.cmpi ne, %rem3A_456, %ne3A_458 : vector<1x128xi32>
    %and3A_460 = arith.andi %ne3A_454, %ne3A_459 : vector<1x128xi1>
    %sub3A_461 = arith.constant 1 : i32
    %sub3A_462 = vector.broadcast %sub3A_461 : i32 to vector<1x128xi32>
    %sub3A_463 = arith.subi %div3A_436, %sub3A_462 : vector<1x128xi32>
    %select_n3A_464 = arith.select %and3A_460, %sub3A_463, %div3A_436 : vector<1x128xi1>, vector<1x128xi32>
    %jit3A_465 = arith.constant 2 : i32
    %eq3A_466 = arith.constant 0 : i32
    %eq3A_467 = arith.cmpi eq, %jit3A_465, %eq3A_466 : i32
    %jit3A_468 = arith.constant 1 : i32
    %select_n3A_469 = arith.select %eq3A_467, %jit3A_468, %jit3A_465 : i32
    %rem3A_470 = vector.broadcast %select_n3A_469 : i32 to vector<1x128xi32>
    %rem3A_471 = arith.remsi %select_n3A_464, %rem3A_470 : vector<1x128xi32>
    %ne3A_472 = arith.constant 0 : i32
    %ne3A_473 = vector.broadcast %ne3A_472 : i32 to vector<1x128xi32>
    %ne3A_474 = arith.cmpi ne, %rem3A_471, %ne3A_473 : vector<1x128xi32>
    %lt3A_475 = arith.constant 0 : i32
    %lt3A_476 = vector.broadcast %lt3A_475 : i32 to vector<1x128xi32>
    %lt3A_477 = arith.cmpi slt, %rem3A_471, %lt3A_476 : vector<1x128xi32>
    %lt3A_478 = arith.constant 0 : i32
    %lt3A_479 = arith.cmpi slt, %select_n3A_469, %lt3A_478 : i32
    %ne3A_480 = vector.broadcast %lt3A_479 : i1 to vector<1x128xi1>
    %ne3A_481 = vector.broadcast %ne3A_480 : vector<1x128xi1> to vector<1x128xi1>
    %ne3A_482 = arith.xori %lt3A_477, %ne3A_481 : vector<1x128xi1>
    %and3A_483 = arith.andi %ne3A_482, %ne3A_474 : vector<1x128xi1>
    %add3A_484 = vector.broadcast %select_n3A_469 : i32 to vector<1x128xi32>
    %add3A_485 = arith.addi %rem3A_471, %add3A_484 : vector<1x128xi32>
    %select_n3A_486 = arith.select %and3A_483, %add3A_485, %rem3A_471 : vector<1x128xi1>, vector<1x128xi32>
    %mul3A_487 = arith.constant 512 : i32
    %mul3A_488 = vector.broadcast %mul3A_487 : i32 to vector<1x128xi32>
    %mul3A_489 = arith.muli %select_n3A_486, %mul3A_488 : vector<1x128xi32>
    %dot_general3A_490 = arith.constant dense<0.000000e+00> : vector<5120x128xf32>
    %dot_general3A_491 = tpu.matmul %convert_element_type3A_370, %convert_element_type3A_432, %dot_general3A_490 {dimension_numbers = #tpu.dot_dimension_numbers<[1], [0], [0], [1], [0, 0, 1, 1], [], []>, precision = #tpu.contract_precision<fp32>, transpose_lhs_hint = false} : vector<5120x64xf32>, vector<64x128xf32>, vector<5120x128xf32> -> vector<5120x128xf32>
    %add3A_492 = arith.constant 5.000000e-01 : f32
    %add3A_493 = vector.broadcast %add3A_492 : f32 to vector<5120x128xf32>
    %add3A_494 = arith.addf %dot_general3A_491, %add3A_493 : vector<5120x128xf32>
    %convert_element_type3A_495 = arith.fptosi %add3A_494 : vector<5120x128xf32> to vector<5120x128xi32>
    %add3A_496 = vector.broadcast %mul3A_489 : vector<1x128xi32> to vector<5120x128xi32>
    %add3A_497 = arith.addi %convert_element_type3A_495, %add3A_496 : vector<5120x128xi32>
    %swap3A_498 = arith.constant 0 : index
    %swap3A_499 = arith.constant 0 : index
    %swap3A_500 = vector.load %arg12[%swap3A_498, %swap3A_499] : memref<5120x128xi32, #tpu.memory_space<vmem>>, vector<5120x128xi32>
    tpu.vector_store %arg12[%swap3A_498, %swap3A_499], %add3A_497 {strides = array<i32>} : memref<5120x128xi32, #tpu.memory_space<vmem>>, vector<5120x128xi32>,
    return
  }
}

</mosaic_0001>

<sc_bundles>
// kernel: kernel.4.cloned.1.call-start
scs
__scs_entry_jumppad:
0x0: {  	(pc) =	sbr.rel $0x88, $3  }
0x1: {  	(tag) =	ssettag $0x0;
	lr =	simm.s32 $0x1  }
0x2: {  	[smem:$0x3F96] =	sst lr;
	_ =	strace $0xD0000000  }
0x3: {  	_ = 	snop  }
0x4: {  	_ = 	snop  }
0x5: {  	_ = 	snop  }
0x6: {  	_ = 	snop  }
0x7: {  	_ = 	snop  }
__scs_overlays_trampoline_lowered:
0x8: {  	[smem:$0x3FA5] =	sst s0  }
0x9: {  	[smem:$0x3FA6] =	sst s1  }
0xa: {  	[smem:$0x3FA7] =	sst s2  }
0xb: {  	[smem:$0x3FA8] =	sst s3  }
0xc: {  	[smem:$0x3FA9] =	sst s4  }
0xd: {  	[smem:$0x3FAA] =	sst s5  }
0xe: {  	[smem:$0x3FAB] =	sst s6  }
0xf: {  	[smem:$0x3FAC] =	sst s7  }
0x10: {  	[smem:$0x3FAD] =	sst s8  }
0x11: {  	[smem:$0x3FAE] =	sst s9;
	s0 =	simm.s32 @!p0 $0x0  }
0x12: {  	s1 =	sld [smem:$0x3F94];
	s0 =	simm.s32 @p0 $0x1  }
0x13: {  	[smem:$0x3FAF] =	sst s0;
	s0 =	simm.s32 @!p1 $0x0  }
0x14: {  	s2 =	sld [smem:$0x3F93];
	s0 =	simm.s32 @p1 $0x1  }
0x15: {  	[smem:$0x3FB0] =	sst s0;
	s0 =	simm.s32 @!p2 $0x0  }
0x16: {  	s3 =	sld [smem:$0x3FDB];
	s0 =	simm.s32 @p2 $0x1  }
0x17: {  	s4 =	simm.s32 $0x1BF5;
	[smem:$0x3FB2] =	sst s0  }
0x18: {  	s0 =	sld [smem:$0x3F95];
	_ =	swait.ge [sflag:s4], $0x0  }
0x19: {  	s7 =	sld [smem:$0x3F96]  }
0x1a: {  	s8 =	sadd.s32 $0xFFFFE003, lr  }
0x1b: {  	s9 =	sadd.s32 $0xFFFFFEF7, lr;
	s5 =	simm.s32 $0xFFFFFFFF;
	p2 =	slt.u32 s8, $0xFFFFF086  }
0x1c: {  	p1 =	slt.u32 s9, $0xF7A;
	s5 =	simm.s32 @!p2 $0x0  }
0x1d: {  	s5 =	simm.s32 @p1 $0x1;
	p0 =	seq.s32 s7, s2  }
0x1e: {  	s7 =	smul.u32 @!p0 $0xF7A, s2;
	p2 =	seq.s32 @!p0 s5, $0x0  }
0x1f: {  	s9 =	smul.u32 $0xF7A, s1;
	s8 =	simm.s32 @!p0 $0x1BF5;
	p2 =	por !p2, p0  }
0x20: {  	[sflag:s8] =	ssyncset.s32 @!p0 $0xFFFFF086;
	s6 =	sadd.s32 @!p0 s3, s7;
	s7 =	simm.s32 @!p0 $0x108  }
0x21: {  	s3 =	sadd.s32 s3, s9;
	s6 =	sadd.s32 @!p0 $0x88, s6;
	s7 =	simm.s32 @p2 $0x1082  }
0x22: {  	[simem:s7], [sflag:s8] =	dma.local @!p0 [hbm:s6], $0xF7A  }
0x23: {  	s9 =	sor.u32 $0xD0000000, s2;
	s6 =	simm.s32 $0x108;
	_ =	swait.ge @!p0 [sflag:s8], $0x0  }
0x24: {  	s3 =	sadd.s32 $0x88, s3;
	s6 =	simm.s32 @!p1 $0x1082;
	[sflag:s4] =	ssyncset.s32 $0xFFFFF086  }
0x25: {  	[simem:s6], [sflag:s4] =	dma.local [hbm:s3], $0xF7A  }
0x26: {  	[smem:$0x3F96] =	sst s1;
	(tag) =	ssettag s2;
	_ =	strace s9  }
0x27: {  	s1 =	sld [smem:$0x3FA6]  }
0x28: {  	s2 =	sld [smem:$0x3FA7]  }
0x29: {  	s4 =	sld [smem:$0x3FA9]  }
0x2a: {  	p0 =	seq.s32 s5, $0x0;
	s5 =	sld [smem:$0x3FAA]  }
0x2b: {  	s6 =	sld [smem:$0x3FAB]  }
0x2c: {  	s7 =	sld [smem:$0x3FAC]  }
0x2d: {  	s3 =	simm.s32 $0x108;
	s8 =	sld [smem:$0x3FAD]  }
0x2e: {  	s3 =	simm.s32 @!p0 $0x1082;
	s9 =	sld [smem:$0x3FAE]  }
0x2f: {  	lr =	sadd.s32 s0, s3;
	s0 =	sld [smem:$0x3FA5]  }
0x30: {  	s3 =	sld [smem:$0x3FA8]  }
0x31: {  	[smem:$0x3FB1] =	sst s10  }
0x32: {  	s10 =	sld [smem:$0x3FAF];
	_ =	sdelay $0x3  }
0x33: {  	p0 =	seq.s32 s10, $0x1;
	s10 =	sld [smem:$0x3FB1];
	_ =	sdelay $0x3  }
0x34: {  	[smem:$0x3FB1] =	sst s10  }
0x35: {  	s10 =	sld [smem:$0x3FB0];
	_ =	sdelay $0x3  }
0x36: {  	p1 =	seq.s32 s10, $0x1;
	s10 =	sld [smem:$0x3FB1];
	_ =	sdelay $0x3  }
0x37: {  	[smem:$0x3FB1] =	sst s10  }
0x38: {  	s10 =	sld [smem:$0x3FB2]  }
0x39: {  	_ = 	snop;
	(pc) =	sbr.ind lr, $3  }
0x3a: {  	_ = 	snop  }
0x3b: {  	_ = 	snop  }
0x3c: {  	p2 =	seq.s32 s10, $0x1;
	s10 =	sld [smem:$0x3FB1]  }
0x3d: {  	_ =	shalt  }
0x3e: {  	_ =	shalt  }
0x3f: {  	_ =	shalt  }
0x40: {  	_ =	shalt  }
0x41: {  	_ =	shalt  }
0x42: {  	_ =	shalt  }
0x43: {  	_ =	shalt  }
0x44: {  	_ =	shalt  }
0x45: {  	_ =	shalt  }
0x46: {  	_ =	shalt  }
0x47: {  	_ =	shalt  }
0x48: {  	_ =	shalt  }
0x49: {  	_ =	shalt  }
0x4a: {  	_ =	shalt  }
0x4b: {  	_ =	shalt  }
0x4c: {  	_ =	shalt  }
0x4d: {  	_ =	shalt  }
0x4e: {  	_ =	shalt  }
0x4f: {  	_ =	shalt  }
0x50: {  	_ =	shalt  }
0x51: {  	_ =	shalt  }
0x52: {  	_ =	shalt  }
0x53: {  	_ =	shalt  }
0x54: {  	_ =	shalt  }
0x55: {  	_ =	shalt  }
0x56: {  	_ =	shalt  }
0x57: {  	_ =	shalt  }
0x58: {  	_ =	shalt  }
0x59: {  	_ =	shalt  }
0x5a: {  	_ =	shalt  }
0x5b: {  	_ =	shalt  }
0x5c: {  	_ =	shalt  }
0x5d: {  	_ =	shalt  }
0x5e: {  	_ =	shalt  }
0x5f: {  	_ =	shalt  }
0x60: {  	_ =	shalt  }
0x61: {  	_ =	shalt  }
0x62: {  	_ =	shalt  }
0x63: {  	_ =	shalt  }
0x64: {  	_ =	shalt  }
0x65: {  	_ =	shalt  }
0x66: {  	_ =	shalt  }
0x67: {  	_ =	shalt  }
0x68: {  	_ =	shalt  }
0x69: {  	_ =	shalt  }
0x6a: {  	_ =	shalt  }
0x6b: {  	_ =	shalt  }
0x6c: {  	_ =	shalt  }
0x6d: {  	_ =	shalt  }
0x6e: {  	_ =	shalt  }
0x6f: {  	_ =	shalt  }
0x70: {  	_ =	shalt  }
0x71: {  	_ =	shalt  }
0x72: {  	_ =	shalt  }
0x73: {  	_ =	shalt  }
0x74: {  	_ =	shalt  }
0x75: {  	_ =	shalt  }
0x76: {  	_ =	shalt  }
0x77: {  	_ =	shalt  }
0x78: {  	_ =	shalt  }
0x79: {  	_ =	shalt  }
0x7a: {  	_ =	shalt  }
0x7b: {  	_ =	shalt  }
0x7c: {  	_ =	shalt  }
0x7d: {  	_ =	shalt  }
0x7e: {  	_ =	shalt  }
0x7f: {  	_ =	shalt  }
0x80: {  	_ =	shalt  }
0x81: {  	_ =	shalt  }
0x82: {  	_ =	shalt  }
0x83: {  	_ =	shalt  }
0x84: {  	_ =	shalt  }
0x85: {  	_ =	shalt  }
0x86: {  	_ =	shalt  }
0x87: {  	_ =	shalt  }
.Lfunc_end0:
.L_simem_size_0:
called_computation_lowered:
.L_overlay_start_0:
0x88: {  	s2 =	sld [smem:$0x3FD9]  }
0x89: {  	s3 =	sld [smem:$0x3FFE];
	_ =	sdelay $0x1  }
0x8a: {  	s1 =	srdreg.scid  }
0x8b: {  	s0 =	sand.u32 $0x1, s1  }
0x8c: {  	s17 =	sshll.u32 s0, $0xA;
	s2 =	sadd.s32 s3, s2  }
0x8d: {  	s2 =	sadd.s32 s2, s17  }
0x8e: {  	[smem:$0x3FBD] =	sst s2  }
0x8f: {  	_ = 	snop  }
0x90: {  	s2 =	sld [smem:$0x3FD0];
	(tm) =	ssettm $0x1  }
0x91: {  	s18 =	sld [smem:$0x3FFB];
	_ =	sdelay $0x3  }
0x92: {  	_ =	strace s18  }
0x93: {  	s3 =	sld [smem:$0x3FFC];
	_ =	sdelay $0x3  }
0x94: {  	_ =	strace s3  }
0x95: {  	s3 =	sld [smem:$0x3FFD];
	_ =	sdelay $0x3  }
0x96: {  	_ =	strace s3  }
0x97: {  	_ =	strace $0x8FFFFFFF  }
0x98: {  	s19 =	sld [smem:$0x3FDB];
	_ =	sdelay $0x1  }
0x99: {  	s4 =	simm.s32 $_scs_section_size  }
0x9a: {  	s5 =	simm.s32 $_size__tile_overlayer_lowered;
	s6 =	simm.s32 $_tile_overlayer_lowered  }
0x9b: {  	s22 =	simm.s32 $0x1BFF;
	s21 =	sshll.u32 s6, $0x1;
	s3 =	sadd.s32 s4, s19  }
0x9c: {  	s7 =	simm.s32 $0x0;
	s20 =	sshll.u32 s5, $0x1;
	s5 =	sadd.s32 s21, s3  }
0x9d: {  	[timem:s7], [sflag:s22] =	dma.local [hbm:s5], s20  }
0x9e: {  	_ =	swait.ge [sflag:s22], s20  }
0x9f: {  	s4 =	ssub.s32 $0x0, s20;
	[sflag:s22] =	ssyncset.done $0x0  }
0xa0: {  	[sflag:s22] =	ssyncadd.s32 s4;
	_ =	sdelay $0x1  }
0xa1: {  	s23 =	simm.s32 $0x1B8B  }
0xa2: {  	_ =	swait.ge [sflag:s23], $0x1  }
0xa3: {  	[sflag:s23] =	ssyncset.done $0x0  }
0xa4: {  	s25 =	simm.s32 $0x1B8E;
	s24 =	sld [smem:$0x3FFE];
	[sflag:s23] =	ssyncadd.s32 $0xFFFFFFFF  }
0xa5: {  	s26 =	simm.s32 $execute0_lowered;
	[smem:$0x3FD2] =	sst s25  }
0xa6: {  	s5 =	sshll.u32 s26, $0x1;
	_ =	strace $0x80000046;
	[dreg:$0x1] =	wrdreg $0xFFFFFFFF  }
0xa7: {  	s28 =	simm.s32 $_size_execute0_lowered;
	s3 =	sadd.s32 s3, s5;
	[dreg:$0x0] =	wrdreg $0x0  }
0xa8: {  	s5 =	sshll.u32 s28, $0x1;
	[dreg:$0x2] =	wrdreg s3  }
0xa9: {  	[dreg:$0x3] =	wrdreg s5  }
0xaa: {  	[dreg:$0x4] =	wrdreg $0xC0  }
0xab: {  	_ =	task [dreg:s7], $0x5FFFF  }
0xac: {  	[dreg:$0x1] =	wrdreg $0xFFFFFFFF  }
0xad: {  	[dreg:$0x0] =	wrdreg $0x60  }
0xae: {  	[dreg:$0x2] =	wrdreg s24  }
0xaf: {  	[dreg:$0x3] =	wrdreg s2  }
0xb0: {  	[dreg:$0x4] =	wrdreg $0x150000  }
0xb1: {  	[dreg:$0x5] =	wrdreg $0x9  }
0xb2: {  	_ =	task.clear_ibuf [dreg:s7], $0x6FFFF;
	_ =	strace $0x90000046  }
0xb3: {  	s29 =	simm.s32 $0x9;
	_ =	strace $0x80000048  }
0xb4: {  	_ =	swait.ge [sflag:s29], $0x1  }
0xb5: {  	[sflag:s29] =	ssyncadd.s32 $0xFFFFFFFF  }
0xb6: {  	_ =	strace $0x90000048  }
0xb7: {  	_ =	sfence  }
0xb8: {  	s30 =	sld [smem:$0x0];
	_ =	sdelay $0x2  }
0xb9: {  	s31 =	sshll.u32 s1, $0xD;
	s1 =	sshrl.u32 s1, $0x2  }
0xba: {  	s3 =	sand.u32 $0x4000, s31;
	s1 =	sadd.s32 s1, s30  }
0xbb: {  	s0 =	sor.u32 s3, s0;
	s1 =	sshll.u32 s1, $0x11  }
0xbc: {  	s0 =	sor.u32 s1, s0  }
0xbd: {  	s0 =	sadd.s32 $0x8F2B, s0  }
0xbe: {  	[sflag:s0] =	ssyncadd.remote.s32 $0x1  }
0xbf: {  	_ =	sfence.sel $0xFFFF  }
0xc0: {  	[dreg:$0x0] =	wrdreg $0xFFFFFFFF;
	(pc) =	sbr.abs _section_cstart, $3  }
0xc1: {  	[dreg:$0x1] =	wrdreg $0xFFFFFFFF  }
0xc2: {  	_ =	task.clear_ibuf [dreg:s7], $0x2FFFF;
	_ =	strace $0x9FFFFFFF  }
0xc3: {  	(tm) =	ssettm $0x7FFFFFFF  }
tec
execute0_lowered:
.L_overlay_start_1:
0x0: {  	(tag) =	ssettag $0x1  }
0x1: {  	s4 =	rddreg [dreg:$0x0]  }
0x2: {  	s9 =	rddreg [dreg:$0x1];
	s0 =	stileid.u32  }
0x3: {  	s1 =	srdreg.scid;
	s2 =	rddreg [dreg:$0x2]  }
0x4: {  	s3 =	simm.s32 $0x0;
	s17 =	simm.s32 $0x180;
	s18 =	simm.s32 $0x11000  }
0x5: {  	s19 =	simm.s32 $0x1;
	s20 =	simm.s32 $0x2;
	s21 =	simm.s32 $0x4  }
0x6: {  	s22 =	simm.s32 $0x5;
	s23 =	simm.s32 $0x6;
	s8 =	sand.u32 $0x1, s1  }
0x7: {  	s5 =	sshll.u32 s0, $0x1;
	[smem:$0x7FF] =	sst s3;
	s24 =	smul.u32 $0x500000, s0  }
0x8: {  	s6 =	sshll.u32 s0, $0xB;
	s25 =	sshll.u32 s0, $0xE;
	s14 =	smul.u32 $0xA0000, s0  }
0x9: {  	p0 =	sgt.u32 s0, $0x7;
	s5 =	sor.u32 s8, s5;
	s13 =	smul.u32 $0x280000, s8  }
0xa: {  	_ =	strace $0x80000047;
	s10 =	ssub.s32 $0x2, s8;
	s28 =	smul.u32 $0x50000, s8  }
0xb: {  	s6 =	sadd.s32 s6, s4;
	s7 =	smul.u32 $0x5000, s5;
	s11 =	sshrl.u32 s10, $0x1  }
0xc: {  	s12 =	smul.u32 $0x50000, s5;
	s5 =	sadd.s32 s25, s2;
	s30 =	sadd.s32 s14, s9  }
0xd: {  	s14 =	simm.s32 $0x9000;
	s25 =	simm.s32 $0x8;
	s10 =	ssub.s32 s10, s11  }
0xe: {  	s26 =	sadd.s32 s13, s24;
	s31 =	sadd.s32 s28, s30;
	s11 =	simm.s32 $0x9  }
.Ltmp0:
0xf: {  	s13 =	simm.s32 $0x5000;
	s24 =	simm.s32 $0x7;
	(pc) =	sbr.rel .LBB2_1-.Ltmp0, $4  }
0x10: {  	s7 =	sshrl.u32 s7, $0x3;
	s29 =	sadd.s32 s9, s12;
	s12 =	simm.s32 $0x80  }
0x11: {  	s7 =	sadd.s32 s7, s4;
	s4 =	sadd.s32 $0x15E00, s6;
	s8 =	sadd.s32 $0x4F000, s29  }
0x12: {  	s6 =	sadd.s32 $0x1E00, s7;
	s7 =	smax.u32 s10, $0x1;
	s10 =	sshrl.u32 s26, $0x3  }
0x13: {  	s26 =	simm.s32 $0x0;
	s9 =	sadd.s32 s10, s9;
	s10 =	sadd.s32 $0x1800, s31  }
.LBB2_4:
0x14: {  	_ =	swait.ge [sflag:s22], $0x4000  }
0x15: {  	[sflag:s22] =	ssyncset.done $0x0  }
0x16: {  	[sflag:s22] =	ssyncadd.s32 $0xFFFFC000  }
0x17: {  	_ =	swait.ge [sflag:s23], $0x4000  }
0x18: {  	[sflag:s23] =	ssyncset.done $0x0  }
0x19: {  	s26 =	sadd.s32 $0x1, s26;
	[sflag:s23] =	ssyncadd.s32 $0xFFFFC000  }
0x1a: {  	p1 =	sne.s32 s26, s7;
	_ =	swait.ge [sflag:s24], $0x4000  }
.Ltmp1:
0x1b: {  	[sflag:s24] =	ssyncset.done $0x0;
	(pc) =	sbr.rel @!p1 .LBB2_5-.Ltmp1, $4  }
0x1c: {  	[sflag:s24] =	ssyncadd.s32 $0xFFFFC000  }
0x1d: {  	_ =	swait.ge [sflag:s25], $0x4000  }
0x1e: {  	[sflag:s25] =	ssyncset.done $0x0  }
0x1f: {  	[sflag:s25] =	ssyncadd.s32 $0xFFFFC000  }
.LBB2_1:
0x20: {  	s28 =	simm.s32 @!p0 $0x0;
	s29 =	simm.s32 @!p0 $0x5000  }
0x21: {  	[tilespmem:s29], [sflag:$0x9] =	stream.linear.gather @!p0 [hbm4b:s4+s28], $0x4000, $0x38;
	[tilespmem:$0x17000] =	vst v63  }
0x22: {  	s28 =	simm.s32 @!p0 $0x9  }
0x23: {  	_ =	swait.ge @!p0 [sflag:s28], $0x4000  }
0x24: {  	[sflag:s28] =	ssyncset.done @!p0 $0x0  }
0x25: {  	[sflag:s28] =	ssyncadd.s32 @!p0 $0xFFFFC000  }
0x26: {  	[spmem:s5] =	stream.linear.scatter @!p0 [tilespmem:s29], [sflag:$0x9], $0x4000, $0x38;
	[tilespmem:$0x17000] =	vst v63  }
0x27: {  	_ =	swait.ge @!p0 [sflag:s28], $0x4000  }
0x28: {  	[sflag:s28] =	ssyncset.done @!p0 $0x0  }
0x29: {  	[sflag:s28] =	ssyncadd.s32 @!p0 $0xFFFFC000  }
0x2a: {  	[tilespmem:s3], [sflag:$0x9] =	stream.linear.gather [hbm4b:s6+s3], $0x5000, $0x38;
	[tilespmem:$0x17000] =	vst v63  }
0x2b: {  	_ =	swait.ge [sflag:s11], $0x5000  }
0x2c: {  	[sflag:s11] =	ssyncset.done $0x0  }
0x2d: {  	[sflag:s11] =	ssyncadd.s32 $0xFFFFB000  }
0x2e: {  	[bflag:$0x0] =	sbarrier.arrive $0xFFFF  }
0x2f: {  	[tilespmem:s13], [sflag:$0x1] =	stream.indirect.gather [spmem:s2], $0x80, s3, s12, $0xb8;
	[tilespmem:$0x17000] =	vst v63  }
0x30: {  	_ = 	snop  }
0x31: {  	[tilespmem:s14], [sflag:$0x2] =	stream.indirect.gather [spmem:s2], $0x80, s12, s12, $0xb8;
	[tilespmem:$0x17000] =	vst v63  }
0x32: {  	s0 =	simm.s32 $0x100;
	s1 =	simm.s32 $0xD000  }
0x33: {  	[tilespmem:s1], [sflag:$0x3] =	stream.indirect.gather [spmem:s2], $0x80, s0, s12, $0xb8;
	[tilespmem:$0x17000] =	vst v63  }
0x34: {  	s30 =	simm.s32 $0x0;
	s29 =	smov.u32 s9;
	s28 =	smov.u32 s10  }
0x35: {  	[tilespmem:s18], [sflag:$0x4] =	stream.indirect.gather [spmem:s2], $0x80, s17, s12, $0xb8;
	[tilespmem:$0x17000] =	vst v63  }
.LBB2_2:
0x36: {  	_ =	swait.ge [sflag:s19], $0x4000  }
0x37: {  	p1 =	seq.s32 s30, $0x13800;
	[sflag:s19] =	ssyncset.done $0x0  }
0x38: {  	s31 =	simm.s32 @!p1 $0x5;
	[sflag:s19] =	ssyncadd.s32 $0xFFFFC000  }
0x39: {  	[hbm4b:s29+s3] =	stream.linear.scatter [tilespmem:s13], [sflag:$0x5], $0x4000, $0x38;
	[tilespmem:$0x17000] =	vst v63  }
0x3a: {  	_ =	swait.ge @!p1 [sflag:s31], $0x4000  }
0x3b: {  	[sflag:s31] =	ssyncset.done @!p1 $0x0  }
0x3c: {  	[sflag:s31] =	ssyncadd.s32 @!p1 $0xFFFFC000;
	s31 =	sshra.s32 @!p1 s30, $0x2  }
0x3d: {  	s0 =	simm.s32 @!p1 $0x80;
	s15 =	simm.s32 @!p1 $0x5000;
	s1 =	sadd.s32 @!p1 $0x200, s31  }
0x3e: {  	[tilespmem:s15], [sflag:$0x1] =	stream.indirect.gather @!p1 [spmem:s2], $0x80, s1, s0, $0xb8;
	[tilespmem:$0x17000] =	vst v63  }
0x3f: {  	_ =	swait.ge [sflag:s20], $0x4000  }
0x40: {  	[sflag:s20] =	ssyncset.done $0x0  }
0x41: {  	s16 =	sadd.s32 $0xFFFFF000, s28;
	s1 =	simm.s32 @p1 $0x3;
	[sflag:s20] =	ssyncadd.s32 $0xFFFFC000  }
0x42: {  	[hbm4b:s16+s3] =	stream.linear.scatter [tilespmem:s14], [sflag:$0x6], $0x4000, $0x38;
	[tilespmem:$0x17000] =	vst v63  }
0x43: {  	_ =	swait.ge @p1 [sflag:s1], $0x4000  }
0x44: {  	[sflag:s1] =	ssyncset.done @p1 $0x0  }
0x45: {  	s15 =	simm.s32 @p1 $0xD000;
	[sflag:s1] =	ssyncadd.s32 @p1 $0xFFFFC000;
	s1 =	simm.s32 @p1 $0x0  }
0x46: {  	[hbm4b:s8+s1] =	stream.linear.scatter @p1 [tilespmem:s15], [sflag:$0x7], $0x4000, $0x38;
	[tilespmem:$0x17000] =	vst v63  }
0x47: {  	s1 =	simm.s32 @!p1 $0x6  }
0x48: {  	_ =	swait.ge @!p1 [sflag:s1], $0x4000  }
0x49: {  	[sflag:s1] =	ssyncset.done @!p1 $0x0  }
0x4a: {  	s15 =	simm.s32 @!p1 $0x9000;
	[sflag:s1] =	ssyncadd.s32 @!p1 $0xFFFFC000;
	s1 =	sadd.s32 @!p1 $0x280, s31  }
0x4b: {  	[tilespmem:s15], [sflag:$0x2] =	stream.indirect.gather @!p1 [spmem:s2], $0x80, s1, s0, $0xb8;
	[tilespmem:$0x17000] =	vst v63  }
0x4c: {  	s1 =	simm.s32 @!p1 $0x3  }
0x4d: {  	_ =	swait.ge @!p1 [sflag:s1], $0x4000  }
0x4e: {  	s16 =	simm.s32 @!p1 $0xD000;
	[sflag:s1] =	ssyncset.done @!p1 $0x0  }
0x4f: {  	s15 =	simm.s32 @!p1 $0x0;
	[sflag:s1] =	ssyncadd.s32 @!p1 $0xFFFFC000;
	s1 =	sadd.s32 @!p1 $0xFFFFF800, s28  }
0x50: {  	[hbm4b:s1+s15] =	stream.linear.scatter @!p1 [tilespmem:s16], [sflag:$0x7], $0x4000, $0x38;
	[tilespmem:$0x17000] =	vst v63  }
0x51: {  	s1 =	simm.s32 @!p1 $0x7  }
0x52: {  	_ =	swait.ge @!p1 [sflag:s1], $0x4000  }
0x53: {  	[sflag:s1] =	ssyncset.done @!p1 $0x0  }
0x54: {  	[sflag:s1] =	ssyncadd.s32 @!p1 $0xFFFFC000;
	s1 =	sadd.s32 @!p1 $0x300, s31  }
0x55: {  	[tilespmem:s16], [sflag:$0x3] =	stream.indirect.gather @!p1 [spmem:s2], $0x80, s1, s0, $0xb8;
	[tilespmem:$0x17000] =	vst v63  }
.Ltmp2:
0x56: {  	_ = 	snop;
	(pc) =	sbr.rel @p1 .LBB2_4-.Ltmp2, $4  }
0x57: {  	_ =	swait.ge [sflag:s21], $0x4000  }
0x58: {  	[sflag:s21] =	ssyncset.done $0x0  }
0x59: {  	[sflag:s21] =	ssyncadd.s32 $0xFFFFC000  }
0x5a: {  	[hbm4b:s28+s3] =	stream.linear.scatter [tilespmem:s18], [sflag:$0x8], $0x4000, $0x38;
	[tilespmem:$0x17000] =	vst v63  }
.Ltmp3:
0x5b: {  	(pc) =	sbr.rel .LBB2_2-.Ltmp3, $4  }
0x5c: {  	_ =	swait.ge [sflag:s25], $0x4000;
	s0 =	sshra.s32 s30, $0x2  }
0x5d: {  	s30 =	sadd.s32 $0x800, s30;
	s29 =	sadd.s32 $0x2000, s29;
	[sflag:s25] =	ssyncset.done $0x0  }
0x5e: {  	s28 =	sadd.s32 $0x2000, s28;
	s0 =	sadd.s32 $0x380, s0;
	[sflag:s25] =	ssyncadd.s32 $0xFFFFC000  }
0x5f: {  	[tilespmem:s18], [sflag:$0x4] =	stream.indirect.gather [spmem:s2], $0x80, s0, s12, $0xb8;
	[tilespmem:$0x17000] =	vst v63  }
.LBB2_5:
0x60: {  	_ =	sfence.sel $0x180000  }
0x61: {  	[bflag:$0x0] =	sbarrier.arrive $0xFFFF  }
0x62: {  	_ =	strace $0x90000047  }
0x63: {  	s0 =	stileid.u32;
	[bflag:$0x2] =	sbarrier.arrive $0xFFFF  }
0x64: {  	p0 =	sne.s32 s0, $0x0;
	s0 =	rddreg [dreg:$0x3]  }
0x65: {  	s0 =	sadd.s32 @!p0 $0x100000, s0  }
0x66: {  	[sflag:s0] =	ssyncadd.tile.s32 @!p0 $0x1;
	_ =	shalt  }
.Lfunc_end2:
_tile_overlayer_lowered:
.L_overlay_start_2:
0x67: {  	(tag) =	ssettag $0x2  }
0x68: {  	s0 =	rddreg [dreg:$0x0];
	s2 =	stileid.u32  }
0x69: {  	s1 =	rddreg [dreg:$0x1];
	p0 =	sne.s32 s2, $0x0  }
0x6a: {  	s3 =	rddreg [dreg:$0x2];
	[bflag:$0x3] =	sbarrier.arrive $0xFFFF;
	s2 =	simm.s32 @!p0 $0x1C09  }
0x6b: {  	[timem:s3], [sflag:s2] =	dma.local @!p0 [hbm:s0], s1  }
0x6c: {  	s0 =	simm.s32 @!p0 $0x9  }
0x6d: {  	_ =	swait.ge @!p0 [sflag:s0], s1  }
0x6e: {  	s1 =	ssub.s32 @!p0 $0x0, s1;
	[sflag:s0] =	ssyncset.done @!p0 $0x0  }
0x6f: {  	[sflag:s0] =	ssyncadd.s32 @!p0 s1  }
0x70: {  	[bflag:$0x3] =	sbarrier.arrive $0xFFFF  }
0x71: {  	_ =	shalt  }

</sc_bundles>
